<compile_context>
chip_gen: v7x
topology: tpu7x:2x2x1
jax: 0.10.2.dev20260603
libtpu: 0.0.44.dev20260713+nightly
codegen_flags: <defaults>
</compile_context>

<pallas_src>
import functools

import jax
import jax.numpy as jnp
from jax import lax
from jax.experimental import pallas as pl
from jax.experimental.pallas import tpu as pltpu
from jax.experimental.pallas import tpu_sc as plsc

_DIM = 64
_NW = 32
_CHUNK = 128
_NSLOT = 5
_PAIR = 2 * _CHUNK


@functools.lru_cache(maxsize=None)
def _make_gather(n_flat: int):
    mesh = plsc.VectorSubcoreMesh(core_axis_name="c", subcore_axis_name="s")
    per_w = n_flat // _NW
    n_chunk = per_w // _CHUNK
    n_pair = n_chunk // 2
    n_grp = n_pair // _NSLOT

    @functools.partial(
        pl.kernel,
        out_type=jax.ShapeDtypeStruct((n_flat, _DIM), jnp.float32),
        mesh=mesh,
        compiler_params=pltpu.CompilerParams(use_tc_tiling_on_sc=False),
        scratch_types=[
            pltpu.VMEM((n_chunk, _CHUNK), jnp.int32),
            pltpu.VMEM((_NSLOT * _PAIR, _DIM), jnp.float32),
        ]
        + [pltpu.SemaphoreType.DMA] * (3 * _NSLOT),
    )
    def k(idx_hbm, table_hbm, out_hbm, idx_v, buf, *sems):
        gsem = sems[:2 * _NSLOT]
        osem = sems[2 * _NSLOT:]
        wid = lax.axis_index("s") * 2 + lax.axis_index("c")
        base = wid * per_w
        pltpu.sync_copy(idx_hbm.at[wid], idx_v)

        def g_dst(s, o):
            return buf.at[pl.ds(s * _PAIR + o * _CHUNK, _CHUNK)]

        def fire_gather(s, o, p):
            pltpu.async_copy(
                table_hbm.at[idx_v.at[2 * p + o]], g_dst(s, o), gsem[2 * s + o])

        def wait_gather(s, o, p):
            pltpu.make_async_copy(
                table_hbm.at[idx_v.at[2 * p + o]], g_dst(s, o), gsem[2 * s + o]).wait()

        def o_src(s):
            return buf.at[pl.ds(s * _PAIR, _PAIR)]

        def o_dst(p):
            return out_hbm.at[pl.ds(base + p * _PAIR, _PAIR)]

        def fire_out(s, p):
            pltpu.async_copy(o_src(s), o_dst(p), osem[s])

        def wait_out(s, p):
            pltpu.make_async_copy(o_src(s), o_dst(p), osem[s]).wait()

        for s in range(_NSLOT):
            fire_gather(s, 0, s)
            fire_gather(s, 1, s)

        @pl.loop(0, n_grp - 1)
        def _(g):
            p0 = g * _NSLOT
            for s in range(_NSLOT):
                wait_gather(s, 0, p0 + s)
                wait_gather(s, 1, p0 + s)
                fire_out(s, p0 + s)
            for s in range(_NSLOT):
                wait_out(s, p0 + s)
                fire_gather(s, 0, p0 + _NSLOT + s)
                fire_gather(s, 1, p0 + _NSLOT + s)

        p0 = (n_grp - 1) * _NSLOT
        for s in range(_NSLOT):
            wait_gather(s, 0, p0 + s)
            wait_gather(s, 1, p0 + s)
            fire_out(s, p0 + s)
        for s in range(_NSLOT):
            wait_out(s, p0 + s)

    return k


def kernel(emb_indices, table):
    n_rows, n_cols = emb_indices.shape
    idx_w = emb_indices.reshape(_NW, -1, _CHUNK)
    r = _make_gather(n_rows * n_cols)(idx_w, table)
    return r.reshape(n_rows, n_cols, _DIM)

# --- scband reference (transcript-rebuilt; emitter-appended) ---
"""Pipeline reference for scband-learnable-positional-embedding-42666205119311 (READ-ONLY COPY).

The authoritative reference and input builder live on the scoring server;
editing this copy changes nothing except your own understanding.
"""

import jax, jax.numpy as jnp
import numpy as np

NUM_EMBEDDING = 100000
EMBEDDING_DIM = 64

def setup_inputs(seed: int = 0) -> dict:
    key = jax.random.key(seed)
    k1, k2 = jax.random.split(key)
    emb_indices = jax.random.randint(k1, (4096, 200), 0, NUM_EMBEDDING, dtype=jnp.int64 if jax.config.jax_enable_x64 else jnp.int32).astype(jnp.int32)
    table = jax.random.normal(k2, (NUM_EMBEDDING, EMBEDDING_DIM), dtype=jnp.float32)
    return {"emb_indices": emb_indices, "table": table}

def reference(emb_indices, table):
    input_shape = emb_indices.shape
    flat = emb_indices.reshape(-1)
    max_idx = jnp.full_like(flat, NUM_EMBEDDING - 1)
    clipped = jnp.minimum(flat, max_idx)
    embeddings = jnp.take(table, clipped, axis=0)
    embeddings = embeddings.reshape(*input_shape, EMBEDDING_DIM)
    return embeddings

if __name__ == "__main__":
    import jax
    _d = setup_inputs()
    print(jax.jit(kernel)(*tuple(_d.values())))

</pallas_src>

<mosaic_0001>
#map = affine_map<(d0, d1) -> (0, 0, 0)>
#map1 = affine_map<(d0, d1) -> (0, 0)>
module attributes {stable_mosaic.version = 14 : i64} {
  func.func @k(%arg0: i32, %arg1: i32, %arg2: memref<32x200x128xi32, #tpu.memory_space<hbm>>, %arg3: memref<100000x64xf32, #tpu.memory_space<hbm>>, %arg4: memref<819200x64xf32, #tpu.memory_space<hbm>>, %arg5: memref<200x128xi32, #tpu.memory_space<vmem>>, %arg6: memref<1280x64xf32, #tpu.memory_space<vmem>>, %arg7: memref<!tpu.dma_semaphore, #tpu.memory_space<semaphore_mem>>, %arg8: memref<!tpu.dma_semaphore, #tpu.memory_space<semaphore_mem>>, %arg9: memref<!tpu.dma_semaphore, #tpu.memory_space<semaphore_mem>>, %arg10: memref<!tpu.dma_semaphore, #tpu.memory_space<semaphore_mem>>, %arg11: memref<!tpu.dma_semaphore, #tpu.memory_space<semaphore_mem>>, %arg12: memref<!tpu.dma_semaphore, #tpu.memory_space<semaphore_mem>>, %arg13: memref<!tpu.dma_semaphore, #tpu.memory_space<semaphore_mem>>, %arg14: memref<!tpu.dma_semaphore, #tpu.memory_space<semaphore_mem>>, %arg15: memref<!tpu.dma_semaphore, #tpu.memory_space<semaphore_mem>>, %arg16: memref<!tpu.dma_semaphore, #tpu.memory_space<semaphore_mem>>, %arg17: memref<!tpu.dma_semaphore, #tpu.memory_space<semaphore_mem>>, %arg18: memref<!tpu.dma_semaphore, #tpu.memory_space<semaphore_mem>>, %arg19: memref<!tpu.dma_semaphore, #tpu.memory_space<semaphore_mem>>, %arg20: memref<!tpu.dma_semaphore, #tpu.memory_space<semaphore_mem>>, %arg21: memref<!tpu.dma_semaphore, #tpu.memory_space<semaphore_mem>>) attributes {dimension_semantics = [#tpu.dimension_semantics<core_parallel>, #tpu.dimension_semantics<subcore_parallel>], iteration_bounds = array<i64: 2, 16>, scalar_prefetch = 0 : i64, scratch_operands = 17 : i64, tpu.core_type = #tpu.core_type<sc_vector_subcore>, window_params = [{transform_indices = #map}, {transform_indices = #map1}, {transform_indices = #map1}]} {
    %mul3A = arith.constant 2 : i32
    %mul3A_0 = arith.muli %arg1, %mul3A : i32
    %add3A = arith.addi %mul3A_0, %arg0 : i32
    %mul3A_1 = arith.constant 25600 : i32
    %mul3A_2 = arith.muli %add3A, %mul3A_1 : i32
    "tpu.region"() ({
      %run_scoped3A = tpu.sem_alloc : memref<!tpu.dma_semaphore, #tpu.memory_space<semaphore_mem>>
      %dma_start3A_325 = arith.constant 0 : i32
      %dma_start3A_326 = arith.constant 0 : i32
      %dma_start3A_327 = tpu.memref_slice %arg2[%add3A, %dma_start3A_325, %dma_start3A_326] : memref<32x200x128xi32, #tpu.memory_space<hbm>> -> memref<1x200x128xi32, #tpu.memory_space<hbm>>
      %dma_start3A_328 = tpu.memref_squeeze %dma_start3A_327 : memref<1x200x128xi32, #tpu.memory_space<hbm>> -> memref<200x128xi32, #tpu.memory_space<hbm>>
      %dma_start3A_329 = arith.constant 0 : i32
      %dma_start3A_330 = arith.constant 0 : i32
      %dma_start3A_331 = tpu.memref_slice %arg2[%add3A, %dma_start3A_329, %dma_start3A_330] : memref<32x200x128xi32, #tpu.memory_space<hbm>> -> memref<1x200x128xi32, #tpu.memory_space<hbm>>
      %dma_start3A_332 = tpu.memref_squeeze %dma_start3A_331 : memref<1x200x128xi32, #tpu.memory_space<hbm>> -> memref<200x128xi32, #tpu.memory_space<hbm>>
      tpu.enqueue_dma source(%dma_start3A_332 : memref<200x128xi32, #tpu.memory_space<hbm>>) target(%arg5 : memref<200x128xi32, #tpu.memory_space<vmem>>) target_semaphore(%run_scoped3A : memref<!tpu.dma_semaphore, #tpu.memory_space<semaphore_mem>>)
      %dma_wait3A_333 = arith.constant 0 : i32
      %dma_wait3A_334 = arith.constant 0 : i32
      %dma_wait3A_335 = tpu.memref_slice %arg2[%add3A, %dma_wait3A_333, %dma_wait3A_334] : memref<32x200x128xi32, #tpu.memory_space<hbm>> -> memref<1x200x128xi32, #tpu.memory_space<hbm>>
      %dma_wait3A_336 = tpu.memref_squeeze %dma_wait3A_335 : memref<1x200x128xi32, #tpu.memory_space<hbm>> -> memref<200x128xi32, #tpu.memory_space<hbm>>
      %dma_wait3A_337 = arith.constant 0 : i32
      %dma_wait3A_338 = arith.constant 0 : i32
      %dma_wait3A_339 = tpu.memref_slice %arg2[%add3A, %dma_wait3A_337, %dma_wait3A_338] : memref<32x200x128xi32, #tpu.memory_space<hbm>> -> memref<1x200x128xi32, #tpu.memory_space<hbm>>
      %dma_wait3A_340 = tpu.memref_squeeze %dma_wait3A_339 : memref<1x200x128xi32, #tpu.memory_space<hbm>> -> memref<200x128xi32, #tpu.memory_space<hbm>>
      tpu.wait_dma2 semaphore(%run_scoped3A : memref<!tpu.dma_semaphore, #tpu.memory_space<semaphore_mem>>) src(%dma_wait3A_340 : memref<200x128xi32, #tpu.memory_space<hbm>>) dst(%arg5 : memref<200x128xi32, #tpu.memory_space<vmem>>)
      tpu.yield
    }) : () -> ()
    %dma_start3A = arith.constant 0 : i32
    %dma_start3A_3 = arith.constant 0 : i32
    %dma_start3A_4 = arith.constant 0 : i32
    %dma_start3A_5 = tpu.memref_slice %arg6[%dma_start3A_3, %dma_start3A_4] : memref<1280x64xf32, #tpu.memory_space<vmem>> -> memref<128x64xf32, #tpu.memory_space<vmem>>
    %dma_start3A_6 = arith.constant 0 : i32
    %dma_start3A_7 = tpu.memref_slice %arg5[%dma_start3A, %dma_start3A_6] : memref<200x128xi32, #tpu.memory_space<vmem>> -> memref<1x128xi32, #tpu.memory_space<vmem>>
    %dma_start3A_8 = tpu.memref_squeeze %dma_start3A_7 : memref<1x128xi32, #tpu.memory_space<vmem>> -> memref<128xi32, #tpu.memory_space<vmem>>
    %dma_start3A_9 = arith.constant 0 : i32
    %dma_start3A_10 = arith.constant 0 : i32
    %dma_start3A_11 = tpu.memref_slice %arg3[%dma_start3A_9, %dma_start3A_10] : memref<100000x64xf32, #tpu.memory_space<hbm>> -> memref<100000x64xf32, #tpu.memory_space<hbm>>
    tpu.enqueue_indirect_dma source(%dma_start3A_11 : memref<100000x64xf32, #tpu.memory_space<hbm>>) target(%dma_start3A_5 : memref<128x64xf32, #tpu.memory_space<vmem>>) offsets(%dma_start3A_8 : memref<128xi32, #tpu.memory_space<vmem>>) semaphore(%arg7 : memref<!tpu.dma_semaphore, #tpu.memory_space<semaphore_mem>>)
    %dma_start3A_12 = arith.constant 1 : i32
    %dma_start3A_13 = arith.constant 128 : i32
    %dma_start3A_14 = arith.constant 0 : i32
    %dma_start3A_15 = tpu.memref_slice %arg6[%dma_start3A_13, %dma_start3A_14] : memref<1280x64xf32, #tpu.memory_space<vmem>> -> memref<128x64xf32, #tpu.memory_space<vmem>>
    %dma_start3A_16 = arith.constant 0 : i32
    %dma_start3A_17 = tpu.memref_slice %arg5[%dma_start3A_12, %dma_start3A_16] : memref<200x128xi32, #tpu.memory_space<vmem>> -> memref<1x128xi32, #tpu.memory_space<vmem>>
    %dma_start3A_18 = tpu.memref_squeeze %dma_start3A_17 : memref<1x128xi32, #tpu.memory_space<vmem>> -> memref<128xi32, #tpu.memory_space<vmem>>
    %dma_start3A_19 = arith.constant 0 : i32
    %dma_start3A_20 = arith.constant 0 : i32
    %dma_start3A_21 = tpu.memref_slice %arg3[%dma_start3A_19, %dma_start3A_20] : memref<100000x64xf32, #tpu.memory_space<hbm>> -> memref<100000x64xf32, #tpu.memory_space<hbm>>
    tpu.enqueue_indirect_dma source(%dma_start3A_21 : memref<100000x64xf32, #tpu.memory_space<hbm>>) target(%dma_start3A_15 : memref<128x64xf32, #tpu.memory_space<vmem>>) offsets(%dma_start3A_18 : memref<128xi32, #tpu.memory_space<vmem>>) semaphore(%arg8 : memref<!tpu.dma_semaphore, #tpu.memory_space<semaphore_mem>>)
    %dma_start3A_22 = arith.constant 2 : i32
    %dma_start3A_23 = arith.constant 256 : i32
    %dma_start3A_24 = arith.constant 0 : i32
    %dma_start3A_25 = tpu.memref_slice %arg6[%dma_start3A_23, %dma_start3A_24] : memref<1280x64xf32, #tpu.memory_space<vmem>> -> memref<128x64xf32, #tpu.memory_space<vmem>>
    %dma_start3A_26 = arith.constant 0 : i32
    %dma_start3A_27 = tpu.memref_slice %arg5[%dma_start3A_22, %dma_start3A_26] : memref<200x128xi32, #tpu.memory_space<vmem>> -> memref<1x128xi32, #tpu.memory_space<vmem>>
    %dma_start3A_28 = tpu.memref_squeeze %dma_start3A_27 : memref<1x128xi32, #tpu.memory_space<vmem>> -> memref<128xi32, #tpu.memory_space<vmem>>
    %dma_start3A_29 = arith.constant 0 : i32
    %dma_start3A_30 = arith.constant 0 : i32
    %dma_start3A_31 = tpu.memref_slice %arg3[%dma_start3A_29, %dma_start3A_30] : memref<100000x64xf32, #tpu.memory_space<hbm>> -> memref<100000x64xf32, #tpu.memory_space<hbm>>
    tpu.enqueue_indirect_dma source(%dma_start3A_31 : memref<100000x64xf32, #tpu.memory_space<hbm>>) target(%dma_start3A_25 : memref<128x64xf32, #tpu.memory_space<vmem>>) offsets(%dma_start3A_28 : memref<128xi32, #tpu.memory_space<vmem>>) semaphore(%arg9 : memref<!tpu.dma_semaphore, #tpu.memory_space<semaphore_mem>>)
    %dma_start3A_32 = arith.constant 3 : i32
    %dma_start3A_33 = arith.constant 384 : i32
    %dma_start3A_34 = arith.constant 0 : i32
    %dma_start3A_35 = tpu.memref_slice %arg6[%dma_start3A_33, %dma_start3A_34] : memref<1280x64xf32, #tpu.memory_space<vmem>> -> memref<128x64xf32, #tpu.memory_space<vmem>>
    %dma_start3A_36 = arith.constant 0 : i32
    %dma_start3A_37 = tpu.memref_slice %arg5[%dma_start3A_32, %dma_start3A_36] : memref<200x128xi32, #tpu.memory_space<vmem>> -> memref<1x128xi32, #tpu.memory_space<vmem>>
    %dma_start3A_38 = tpu.memref_squeeze %dma_start3A_37 : memref<1x128xi32, #tpu.memory_space<vmem>> -> memref<128xi32, #tpu.memory_space<vmem>>
    %dma_start3A_39 = arith.constant 0 : i32
    %dma_start3A_40 = arith.constant 0 : i32
    %dma_start3A_41 = tpu.memref_slice %arg3[%dma_start3A_39, %dma_start3A_40] : memref<100000x64xf32, #tpu.memory_space<hbm>> -> memref<100000x64xf32, #tpu.memory_space<hbm>>
    tpu.enqueue_indirect_dma source(%dma_start3A_41 : memref<100000x64xf32, #tpu.memory_space<hbm>>) target(%dma_start3A_35 : memref<128x64xf32, #tpu.memory_space<vmem>>) offsets(%dma_start3A_38 : memref<128xi32, #tpu.memory_space<vmem>>) semaphore(%arg10 : memref<!tpu.dma_semaphore, #tpu.memory_space<semaphore_mem>>)
    %dma_start3A_42 = arith.constant 4 : i32
    %dma_start3A_43 = arith.constant 512 : i32
    %dma_start3A_44 = arith.constant 0 : i32
    %dma_start3A_45 = tpu.memref_slice %arg6[%dma_start3A_43, %dma_start3A_44] : memref<1280x64xf32, #tpu.memory_space<vmem>> -> memref<128x64xf32, #tpu.memory_space<vmem>>
    %dma_start3A_46 = arith.constant 0 : i32
    %dma_start3A_47 = tpu.memref_slice %arg5[%dma_start3A_42, %dma_start3A_46] : memref<200x128xi32, #tpu.memory_space<vmem>> -> memref<1x128xi32, #tpu.memory_space<vmem>>
    %dma_start3A_48 = tpu.memref_squeeze %dma_start3A_47 : memref<1x128xi32, #tpu.memory_space<vmem>> -> memref<128xi32, #tpu.memory_space<vmem>>
    %dma_start3A_49 = arith.constant 0 : i32
    %dma_start3A_50 = arith.constant 0 : i32
    %dma_start3A_51 = tpu.memref_slice %arg3[%dma_start3A_49, %dma_start3A_50] : memref<100000x64xf32, #tpu.memory_space<hbm>> -> memref<100000x64xf32, #tpu.memory_space<hbm>>
    tpu.enqueue_indirect_dma source(%dma_start3A_51 : memref<100000x64xf32, #tpu.memory_space<hbm>>) target(%dma_start3A_45 : memref<128x64xf32, #tpu.memory_space<vmem>>) offsets(%dma_start3A_48 : memref<128xi32, #tpu.memory_space<vmem>>) semaphore(%arg11 : memref<!tpu.dma_semaphore, #tpu.memory_space<semaphore_mem>>)
    %dma_start3A_52 = arith.constant 5 : i32
    %dma_start3A_53 = arith.constant 640 : i32
    %dma_start3A_54 = arith.constant 0 : i32
    %dma_start3A_55 = tpu.memref_slice %arg6[%dma_start3A_53, %dma_start3A_54] : memref<1280x64xf32, #tpu.memory_space<vmem>> -> memref<128x64xf32, #tpu.memory_space<vmem>>
    %dma_start3A_56 = arith.constant 0 : i32
    %dma_start3A_57 = tpu.memref_slice %arg5[%dma_start3A_52, %dma_start3A_56] : memref<200x128xi32, #tpu.memory_space<vmem>> -> memref<1x128xi32, #tpu.memory_space<vmem>>
    %dma_start3A_58 = tpu.memref_squeeze %dma_start3A_57 : memref<1x128xi32, #tpu.memory_space<vmem>> -> memref<128xi32, #tpu.memory_space<vmem>>
    %dma_start3A_59 = arith.constant 0 : i32
    %dma_start3A_60 = arith.constant 0 : i32
    %dma_start3A_61 = tpu.memref_slice %arg3[%dma_start3A_59, %dma_start3A_60] : memref<100000x64xf32, #tpu.memory_space<hbm>> -> memref<100000x64xf32, #tpu.memory_space<hbm>>
    tpu.enqueue_indirect_dma source(%dma_start3A_61 : memref<100000x64xf32, #tpu.memory_space<hbm>>) target(%dma_start3A_55 : memref<128x64xf32, #tpu.memory_space<vmem>>) offsets(%dma_start3A_58 : memref<128xi32, #tpu.memory_space<vmem>>) semaphore(%arg12 : memref<!tpu.dma_semaphore, #tpu.memory_space<semaphore_mem>>)
    %dma_start3A_62 = arith.constant 6 : i32
    %dma_start3A_63 = arith.constant 768 : i32
    %dma_start3A_64 = arith.constant 0 : i32
    %dma_start3A_65 = tpu.memref_slice %arg6[%dma_start3A_63, %dma_start3A_64] : memref<1280x64xf32, #tpu.memory_space<vmem>> -> memref<128x64xf32, #tpu.memory_space<vmem>>
    %dma_start3A_66 = arith.constant 0 : i32
    %dma_start3A_67 = tpu.memref_slice %arg5[%dma_start3A_62, %dma_start3A_66] : memref<200x128xi32, #tpu.memory_space<vmem>> -> memref<1x128xi32, #tpu.memory_space<vmem>>
    %dma_start3A_68 = tpu.memref_squeeze %dma_start3A_67 : memref<1x128xi32, #tpu.memory_space<vmem>> -> memref<128xi32, #tpu.memory_space<vmem>>
    %dma_start3A_69 = arith.constant 0 : i32
    %dma_start3A_70 = arith.constant 0 : i32
    %dma_start3A_71 = tpu.memref_slice %arg3[%dma_start3A_69, %dma_start3A_70] : memref<100000x64xf32, #tpu.memory_space<hbm>> -> memref<100000x64xf32, #tpu.memory_space<hbm>>
    tpu.enqueue_indirect_dma source(%dma_start3A_71 : memref<100000x64xf32, #tpu.memory_space<hbm>>) target(%dma_start3A_65 : memref<128x64xf32, #tpu.memory_space<vmem>>) offsets(%dma_start3A_68 : memref<128xi32, #tpu.memory_space<vmem>>) semaphore(%arg13 : memref<!tpu.dma_semaphore, #tpu.memory_space<semaphore_mem>>)
    %dma_start3A_72 = arith.constant 7 : i32
    %dma_start3A_73 = arith.constant 896 : i32
    %dma_start3A_74 = arith.constant 0 : i32
    %dma_start3A_75 = tpu.memref_slice %arg6[%dma_start3A_73, %dma_start3A_74] : memref<1280x64xf32, #tpu.memory_space<vmem>> -> memref<128x64xf32, #tpu.memory_space<vmem>>
    %dma_start3A_76 = arith.constant 0 : i32
    %dma_start3A_77 = tpu.memref_slice %arg5[%dma_start3A_72, %dma_start3A_76] : memref<200x128xi32, #tpu.memory_space<vmem>> -> memref<1x128xi32, #tpu.memory_space<vmem>>
    %dma_start3A_78 = tpu.memref_squeeze %dma_start3A_77 : memref<1x128xi32, #tpu.memory_space<vmem>> -> memref<128xi32, #tpu.memory_space<vmem>>
    %dma_start3A_79 = arith.constant 0 : i32
    %dma_start3A_80 = arith.constant 0 : i32
    %dma_start3A_81 = tpu.memref_slice %arg3[%dma_start3A_79, %dma_start3A_80] : memref<100000x64xf32, #tpu.memory_space<hbm>> -> memref<100000x64xf32, #tpu.memory_space<hbm>>
    tpu.enqueue_indirect_dma source(%dma_start3A_81 : memref<100000x64xf32, #tpu.memory_space<hbm>>) target(%dma_start3A_75 : memref<128x64xf32, #tpu.memory_space<vmem>>) offsets(%dma_start3A_78 : memref<128xi32, #tpu.memory_space<vmem>>) semaphore(%arg14 : memref<!tpu.dma_semaphore, #tpu.memory_space<semaphore_mem>>)
    %dma_start3A_82 = arith.constant 8 : i32
    %dma_start3A_83 = arith.constant 1024 : i32
    %dma_start3A_84 = arith.constant 0 : i32
    %dma_start3A_85 = tpu.memref_slice %arg6[%dma_start3A_83, %dma_start3A_84] : memref<1280x64xf32, #tpu.memory_space<vmem>> -> memref<128x64xf32, #tpu.memory_space<vmem>>
    %dma_start3A_86 = arith.constant 0 : i32
    %dma_start3A_87 = tpu.memref_slice %arg5[%dma_start3A_82, %dma_start3A_86] : memref<200x128xi32, #tpu.memory_space<vmem>> -> memref<1x128xi32, #tpu.memory_space<vmem>>
    %dma_start3A_88 = tpu.memref_squeeze %dma_start3A_87 : memref<1x128xi32, #tpu.memory_space<vmem>> -> memref<128xi32, #tpu.memory_space<vmem>>
    %dma_start3A_89 = arith.constant 0 : i32
    %dma_start3A_90 = arith.constant 0 : i32
    %dma_start3A_91 = tpu.memref_slice %arg3[%dma_start3A_89, %dma_start3A_90] : memref<100000x64xf32, #tpu.memory_space<hbm>> -> memref<100000x64xf32, #tpu.memory_space<hbm>>
    tpu.enqueue_indirect_dma source(%dma_start3A_91 : memref<100000x64xf32, #tpu.memory_space<hbm>>) target(%dma_start3A_85 : memref<128x64xf32, #tpu.memory_space<vmem>>) offsets(%dma_start3A_88 : memref<128xi32, #tpu.memory_space<vmem>>) semaphore(%arg15 : memref<!tpu.dma_semaphore, #tpu.memory_space<semaphore_mem>>)
    %dma_start3A_92 = arith.constant 9 : i32
    %dma_start3A_93 = arith.constant 1152 : i32
    %dma_start3A_94 = arith.constant 0 : i32
    %dma_start3A_95 = tpu.memref_slice %arg6[%dma_start3A_93, %dma_start3A_94] : memref<1280x64xf32, #tpu.memory_space<vmem>> -> memref<128x64xf32, #tpu.memory_space<vmem>>
    %dma_start3A_96 = arith.constant 0 : i32
    %dma_start3A_97 = tpu.memref_slice %arg5[%dma_start3A_92, %dma_start3A_96] : memref<200x128xi32, #tpu.memory_space<vmem>> -> memref<1x128xi32, #tpu.memory_space<vmem>>
    %dma_start3A_98 = tpu.memref_squeeze %dma_start3A_97 : memref<1x128xi32, #tpu.memory_space<vmem>> -> memref<128xi32, #tpu.memory_space<vmem>>
    %dma_start3A_99 = arith.constant 0 : i32
    %dma_start3A_100 = arith.constant 0 : i32
    %dma_start3A_101 = tpu.memref_slice %arg3[%dma_start3A_99, %dma_start3A_100] : memref<100000x64xf32, #tpu.memory_space<hbm>> -> memref<100000x64xf32, #tpu.memory_space<hbm>>
    tpu.enqueue_indirect_dma source(%dma_start3A_101 : memref<100000x64xf32, #tpu.memory_space<hbm>>) target(%dma_start3A_95 : memref<128x64xf32, #tpu.memory_space<vmem>>) offsets(%dma_start3A_98 : memref<128xi32, #tpu.memory_space<vmem>>) semaphore(%arg16 : memref<!tpu.dma_semaphore, #tpu.memory_space<semaphore_mem>>)
    %scan3A = arith.constant 0 : i32
    %scan3A_102 = arith.constant 19 : i32
    %scan3A_103 = arith.addi %scan3A, %scan3A_102 : i32
    %scan3A_104 = arith.constant 1 : i32
    scf.for %scan3A_325 = %scan3A to %scan3A_103 step %scan3A_104  : i32 {
      %mul3A_326 = arith.constant 1 : i32
      %mul3A_327 = arith.muli %scan3A_325, %mul3A_326 : i32
      %add3A_328 = arith.constant 0 : i32
      %add3A_329 = arith.addi %add3A_328, %mul3A_327 : i32
      %mul3A_330 = arith.constant 5 : i32
      %mul3A_331 = arith.muli %add3A_329, %mul3A_330 : i32
      %add3A_332 = arith.constant 0 : i32
      %add3A_333 = arith.addi %mul3A_331, %add3A_332 : i32
      %mul3A_334 = arith.constant 2 : i32
      %mul3A_335 = arith.muli %mul3A_334, %add3A_333 : i32
      %add3A_336 = arith.constant 0 : i32
      %add3A_337 = arith.addi %mul3A_335, %add3A_336 : i32
      %dma_wait3A_338 = arith.constant 0 : i32
      %dma_wait3A_339 = arith.constant 0 : i32
      %dma_wait3A_340 = tpu.memref_slice %arg6[%dma_wait3A_338, %dma_wait3A_339] : memref<1280x64xf32, #tpu.memory_space<vmem>> -> memref<128x64xf32, #tpu.memory_space<vmem>>
      %dma_wait3A_341 = arith.constant 0 : i32
      %dma_wait3A_342 = tpu.memref_slice %arg5[%add3A_337, %dma_wait3A_341] : memref<200x128xi32, #tpu.memory_space<vmem>> -> memref<1x128xi32, #tpu.memory_space<vmem>>
      %dma_wait3A_343 = tpu.memref_squeeze %dma_wait3A_342 : memref<1x128xi32, #tpu.memory_space<vmem>> -> memref<128xi32, #tpu.memory_space<vmem>>
      %dma_wait3A_344 = arith.constant 0 : i32
      %dma_wait3A_345 = arith.constant 0 : i32
      %dma_wait3A_346 = tpu.memref_slice %arg3[%dma_wait3A_344, %dma_wait3A_345] : memref<100000x64xf32, #tpu.memory_space<hbm>> -> memref<100000x64xf32, #tpu.memory_space<hbm>>
      tpu.wait_indirect_dma semaphore(%arg7 : memref<!tpu.dma_semaphore, #tpu.memory_space<semaphore_mem>>) src(%dma_wait3A_346 : memref<100000x64xf32, #tpu.memory_space<hbm>>) dst(%dma_wait3A_340 : memref<128x64xf32, #tpu.memory_space<vmem>>)
      %add3A_347 = arith.constant 0 : i32
      %add3A_348 = arith.addi %mul3A_331, %add3A_347 : i32
      %mul3A_349 = arith.constant 2 : i32
      %mul3A_350 = arith.muli %mul3A_349, %add3A_348 : i32
      %add3A_351 = arith.constant 1 : i32
      %add3A_352 = arith.addi %mul3A_350, %add3A_351 : i32
      %dma_wait3A_353 = arith.constant 128 : i32
      %dma_wait3A_354 = arith.constant 0 : i32
      %dma_wait3A_355 = tpu.memref_slice %arg6[%dma_wait3A_353, %dma_wait3A_354] : memref<1280x64xf32, #tpu.memory_space<vmem>> -> memref<128x64xf32, #tpu.memory_space<vmem>>
      %dma_wait3A_356 = arith.constant 0 : i32
      %dma_wait3A_357 = tpu.memref_slice %arg5[%add3A_352, %dma_wait3A_356] : memref<200x128xi32, #tpu.memory_space<vmem>> -> memref<1x128xi32, #tpu.memory_space<vmem>>
      %dma_wait3A_358 = tpu.memref_squeeze %dma_wait3A_357 : memref<1x128xi32, #tpu.memory_space<vmem>> -> memref<128xi32, #tpu.memory_space<vmem>>
      %dma_wait3A_359 = arith.constant 0 : i32
      %dma_wait3A_360 = arith.constant 0 : i32
      %dma_wait3A_361 = tpu.memref_slice %arg3[%dma_wait3A_359, %dma_wait3A_360] : memref<100000x64xf32, #tpu.memory_space<hbm>> -> memref<100000x64xf32, #tpu.memory_space<hbm>>
      tpu.wait_indirect_dma semaphore(%arg8 : memref<!tpu.dma_semaphore, #tpu.memory_space<semaphore_mem>>) src(%dma_wait3A_361 : memref<100000x64xf32, #tpu.memory_space<hbm>>) dst(%dma_wait3A_355 : memref<128x64xf32, #tpu.memory_space<vmem>>)
      %add3A_362 = arith.constant 0 : i32
      %add3A_363 = arith.addi %mul3A_331, %add3A_362 : i32
      %mul3A_364 = arith.constant 256 : i32
      %mul3A_365 = arith.muli %add3A_363, %mul3A_364 : i32
      %add3A_366 = arith.addi %mul3A_2, %mul3A_365 : i32
      %dma_start3A_367 = arith.constant 0 : i32
      %dma_start3A_368 = arith.constant 0 : i32
      %dma_start3A_369 = tpu.memref_slice %arg6[%dma_start3A_367, %dma_start3A_368] : memref<1280x64xf32, #tpu.memory_space<vmem>> -> memref<256x64xf32, #tpu.memory_space<vmem>>
      %dma_start3A_370 = arith.constant 0 : i32
      %dma_start3A_371 = tpu.memref_slice %arg4[%add3A_366, %dma_start3A_370] : memref<819200x64xf32, #tpu.memory_space<hbm>> -> memref<256x64xf32, #tpu.memory_space<hbm>>
      %dma_start3A_372 = arith.constant 0 : i32
      %dma_start3A_373 = tpu.memref_slice %arg4[%add3A_366, %dma_start3A_372] : memref<819200x64xf32, #tpu.memory_space<hbm>> -> memref<256x64xf32, #tpu.memory_space<hbm>>
      %dma_start3A_374 = arith.constant 0 : i32
      %dma_start3A_375 = arith.constant 0 : i32
      %dma_start3A_376 = tpu.memref_slice %arg6[%dma_start3A_374, %dma_start3A_375] : memref<1280x64xf32, #tpu.memory_space<vmem>> -> memref<256x64xf32, #tpu.memory_space<vmem>>
      tpu.enqueue_dma source(%dma_start3A_376 : memref<256x64xf32, #tpu.memory_space<vmem>>) target(%dma_start3A_373 : memref<256x64xf32, #tpu.memory_space<hbm>>) target_semaphore(%arg17 : memref<!tpu.dma_semaphore, #tpu.memory_space<semaphore_mem>>)
      %add3A_377 = arith.constant 1 : i32
      %add3A_378 = arith.addi %mul3A_331, %add3A_377 : i32
      %mul3A_379 = arith.constant 2 : i32
      %mul3A_380 = arith.muli %mul3A_379, %add3A_378 : i32
      %add3A_381 = arith.constant 0 : i32
      %add3A_382 = arith.addi %mul3A_380, %add3A_381 : i32
      %dma_wait3A_383 = arith.constant 256 : i32
      %dma_wait3A_384 = arith.constant 0 : i32
      %dma_wait3A_385 = tpu.memref_slice %arg6[%dma_wait3A_383, %dma_wait3A_384] : memref<1280x64xf32, #tpu.memory_space<vmem>> -> memref<128x64xf32, #tpu.memory_space<vmem>>
      %dma_wait3A_386 = arith.constant 0 : i32
      %dma_wait3A_387 = tpu.memref_slice %arg5[%add3A_382, %dma_wait3A_386] : memref<200x128xi32, #tpu.memory_space<vmem>> -> memref<1x128xi32, #tpu.memory_space<vmem>>
      %dma_wait3A_388 = tpu.memref_squeeze %dma_wait3A_387 : memref<1x128xi32, #tpu.memory_space<vmem>> -> memref<128xi32, #tpu.memory_space<vmem>>
      %dma_wait3A_389 = arith.constant 0 : i32
      %dma_wait3A_390 = arith.constant 0 : i32
      %dma_wait3A_391 = tpu.memref_slice %arg3[%dma_wait3A_389, %dma_wait3A_390] : memref<100000x64xf32, #tpu.memory_space<hbm>> -> memref<100000x64xf32, #tpu.memory_space<hbm>>
      tpu.wait_indirect_dma semaphore(%arg9 : memref<!tpu.dma_semaphore, #tpu.memory_space<semaphore_mem>>) src(%dma_wait3A_391 : memref<100000x64xf32, #tpu.memory_space<hbm>>) dst(%dma_wait3A_385 : memref<128x64xf32, #tpu.memory_space<vmem>>)
      %add3A_392 = arith.constant 1 : i32
      %add3A_393 = arith.addi %mul3A_331, %add3A_392 : i32
      %mul3A_394 = arith.constant 2 : i32
      %mul3A_395 = arith.muli %mul3A_394, %add3A_393 : i32
      %add3A_396 = arith.constant 1 : i32
      %add3A_397 = arith.addi %mul3A_395, %add3A_396 : i32
      %dma_wait3A_398 = arith.constant 384 : i32
      %dma_wait3A_399 = arith.constant 0 : i32
      %dma_wait3A_400 = tpu.memref_slice %arg6[%dma_wait3A_398, %dma_wait3A_399] : memref<1280x64xf32, #tpu.memory_space<vmem>> -> memref<128x64xf32, #tpu.memory_space<vmem>>
      %dma_wait3A_401 = arith.constant 0 : i32
      %dma_wait3A_402 = tpu.memref_slice %arg5[%add3A_397, %dma_wait3A_401] : memref<200x128xi32, #tpu.memory_space<vmem>> -> memref<1x128xi32, #tpu.memory_space<vmem>>
      %dma_wait3A_403 = tpu.memref_squeeze %dma_wait3A_402 : memref<1x128xi32, #tpu.memory_space<vmem>> -> memref<128xi32, #tpu.memory_space<vmem>>
      %dma_wait3A_404 = arith.constant 0 : i32
      %dma_wait3A_405 = arith.constant 0 : i32
      %dma_wait3A_406 = tpu.memref_slice %arg3[%dma_wait3A_404, %dma_wait3A_405] : memref<100000x64xf32, #tpu.memory_space<hbm>> -> memref<100000x64xf32, #tpu.memory_space<hbm>>
      tpu.wait_indirect_dma semaphore(%arg10 : memref<!tpu.dma_semaphore, #tpu.memory_space<semaphore_mem>>) src(%dma_wait3A_406 : memref<100000x64xf32, #tpu.memory_space<hbm>>) dst(%dma_wait3A_400 : memref<128x64xf32, #tpu.memory_space<vmem>>)
      %add3A_407 = arith.constant 1 : i32
      %add3A_408 = arith.addi %mul3A_331, %add3A_407 : i32
      %mul3A_409 = arith.constant 256 : i32
      %mul3A_410 = arith.muli %add3A_408, %mul3A_409 : i32
      %add3A_411 = arith.addi %mul3A_2, %mul3A_410 : i32
      %dma_start3A_412 = arith.constant 256 : i32
      %dma_start3A_413 = arith.constant 0 : i32
      %dma_start3A_414 = tpu.memref_slice %arg6[%dma_start3A_412, %dma_start3A_413] : memref<1280x64xf32, #tpu.memory_space<vmem>> -> memref<256x64xf32, #tpu.memory_space<vmem>>
      %dma_start3A_415 = arith.constant 0 : i32
      %dma_start3A_416 = tpu.memref_slice %arg4[%add3A_411, %dma_start3A_415] : memref<819200x64xf32, #tpu.memory_space<hbm>> -> memref<256x64xf32, #tpu.memory_space<hbm>>
      %dma_start3A_417 = arith.constant 0 : i32
      %dma_start3A_418 = tpu.memref_slice %arg4[%add3A_411, %dma_start3A_417] : memref<819200x64xf32, #tpu.memory_space<hbm>> -> memref<256x64xf32, #tpu.memory_space<hbm>>
      %dma_start3A_419 = arith.constant 256 : i32
      %dma_start3A_420 = arith.constant 0 : i32
      %dma_start3A_421 = tpu.memref_slice %arg6[%dma_start3A_419, %dma_start3A_420] : memref<1280x64xf32, #tpu.memory_space<vmem>> -> memref<256x64xf32, #tpu.memory_space<vmem>>
      tpu.enqueue_dma source(%dma_start3A_421 : memref<256x64xf32, #tpu.memory_space<vmem>>) target(%dma_start3A_418 : memref<256x64xf32, #tpu.memory_space<hbm>>) target_semaphore(%arg18 : memref<!tpu.dma_semaphore, #tpu.memory_space<semaphore_mem>>)
      %add3A_422 = arith.constant 2 : i32
      %add3A_423 = arith.addi %mul3A_331, %add3A_422 : i32
      %mul3A_424 = arith.constant 2 : i32
      %mul3A_425 = arith.muli %mul3A_424, %add3A_423 : i32
      %add3A_426 = arith.constant 0 : i32
      %add3A_427 = arith.addi %mul3A_425, %add3A_426 : i32
      %dma_wait3A_428 = arith.constant 512 : i32
      %dma_wait3A_429 = arith.constant 0 : i32
      %dma_wait3A_430 = tpu.memref_slice %arg6[%dma_wait3A_428, %dma_wait3A_429] : memref<1280x64xf32, #tpu.memory_space<vmem>> -> memref<128x64xf32, #tpu.memory_space<vmem>>
      %dma_wait3A_431 = arith.constant 0 : i32
      %dma_wait3A_432 = tpu.memref_slice %arg5[%add3A_427, %dma_wait3A_431] : memref<200x128xi32, #tpu.memory_space<vmem>> -> memref<1x128xi32, #tpu.memory_space<vmem>>
      %dma_wait3A_433 = tpu.memref_squeeze %dma_wait3A_432 : memref<1x128xi32, #tpu.memory_space<vmem>> -> memref<128xi32, #tpu.memory_space<vmem>>
      %dma_wait3A_434 = arith.constant 0 : i32
      %dma_wait3A_435 = arith.constant 0 : i32
      %dma_wait3A_436 = tpu.memref_slice %arg3[%dma_wait3A_434, %dma_wait3A_435] : memref<100000x64xf32, #tpu.memory_space<hbm>> -> memref<100000x64xf32, #tpu.memory_space<hbm>>
      tpu.wait_indirect_dma semaphore(%arg11 : memref<!tpu.dma_semaphore, #tpu.memory_space<semaphore_mem>>) src(%dma_wait3A_436 : memref<100000x64xf32, #tpu.memory_space<hbm>>) dst(%dma_wait3A_430 : memref<128x64xf32, #tpu.memory_space<vmem>>)
      %add3A_437 = arith.constant 2 : i32
      %add3A_438 = arith.addi %mul3A_331, %add3A_437 : i32
      %mul3A_439 = arith.constant 2 : i32
      %mul3A_440 = arith.muli %mul3A_439, %add3A_438 : i32
      %add3A_441 = arith.constant 1 : i32
      %add3A_442 = arith.addi %mul3A_440, %add3A_441 : i32
      %dma_wait3A_443 = arith.constant 640 : i32
      %dma_wait3A_444 = arith.constant 0 : i32
      %dma_wait3A_445 = tpu.memref_slice %arg6[%dma_wait3A_443, %dma_wait3A_444] : memref<1280x64xf32, #tpu.memory_space<vmem>> -> memref<128x64xf32, #tpu.memory_space<vmem>>
      %dma_wait3A_446 = arith.constant 0 : i32
      %dma_wait3A_447 = tpu.memref_slice %arg5[%add3A_442, %dma_wait3A_446] : memref<200x128xi32, #tpu.memory_space<vmem>> -> memref<1x128xi32, #tpu.memory_space<vmem>>
      %dma_wait3A_448 = tpu.memref_squeeze %dma_wait3A_447 : memref<1x128xi32, #tpu.memory_space<vmem>> -> memref<128xi32, #tpu.memory_space<vmem>>
      %dma_wait3A_449 = arith.constant 0 : i32
      %dma_wait3A_450 = arith.constant 0 : i32
      %dma_wait3A_451 = tpu.memref_slice %arg3[%dma_wait3A_449, %dma_wait3A_450] : memref<100000x64xf32, #tpu.memory_space<hbm>> -> memref<100000x64xf32, #tpu.memory_space<hbm>>
      tpu.wait_indirect_dma semaphore(%arg12 : memref<!tpu.dma_semaphore, #tpu.memory_space<semaphore_mem>>) src(%dma_wait3A_451 : memref<100000x64xf32, #tpu.memory_space<hbm>>) dst(%dma_wait3A_445 : memref<128x64xf32, #tpu.memory_space<vmem>>)
      %add3A_452 = arith.constant 2 : i32
      %add3A_453 = arith.addi %mul3A_331, %add3A_452 : i32
      %mul3A_454 = arith.constant 256 : i32
      %mul3A_455 = arith.muli %add3A_453, %mul3A_454 : i32
      %add3A_456 = arith.addi %mul3A_2, %mul3A_455 : i32
      %dma_start3A_457 = arith.constant 512 : i32
      %dma_start3A_458 = arith.constant 0 : i32
      %dma_start3A_459 = tpu.memref_slice %arg6[%dma_start3A_457, %dma_start3A_458] : memref<1280x64xf32, #tpu.memory_space<vmem>> -> memref<256x64xf32, #tpu.memory_space<vmem>>
      %dma_start3A_460 = arith.constant 0 : i32
      %dma_start3A_461 = tpu.memref_slice %arg4[%add3A_456, %dma_start3A_460] : memref<819200x64xf32, #tpu.memory_space<hbm>> -> memref<256x64xf32, #tpu.memory_space<hbm>>
      %dma_start3A_462 = arith.constant 0 : i32
      %dma_start3A_463 = tpu.memref_slice %arg4[%add3A_456, %dma_start3A_462] : memref<819200x64xf32, #tpu.memory_space<hbm>> -> memref<256x64xf32, #tpu.memory_space<hbm>>
      %dma_start3A_464 = arith.constant 512 : i32
      %dma_start3A_465 = arith.constant 0 : i32
      %dma_start3A_466 = tpu.memref_slice %arg6[%dma_start3A_464, %dma_start3A_465] : memref<1280x64xf32, #tpu.memory_space<vmem>> -> memref<256x64xf32, #tpu.memory_space<vmem>>
      tpu.enqueue_dma source(%dma_start3A_466 : memref<256x64xf32, #tpu.memory_space<vmem>>) target(%dma_start3A_463 : memref<256x64xf32, #tpu.memory_space<hbm>>) target_semaphore(%arg19 : memref<!tpu.dma_semaphore, #tpu.memory_space<semaphore_mem>>)
      %add3A_467 = arith.constant 3 : i32
      %add3A_468 = arith.addi %mul3A_331, %add3A_467 : i32
      %mul3A_469 = arith.constant 2 : i32
      %mul3A_470 = arith.muli %mul3A_469, %add3A_468 : i32
      %add3A_471 = arith.constant 0 : i32
      %add3A_472 = arith.addi %mul3A_470, %add3A_471 : i32
      %dma_wait3A_473 = arith.constant 768 : i32
      %dma_wait3A_474 = arith.constant 0 : i32
      %dma_wait3A_475 = tpu.memref_slice %arg6[%dma_wait3A_473, %dma_wait3A_474] : memref<1280x64xf32, #tpu.memory_space<vmem>> -> memref<128x64xf32, #tpu.memory_space<vmem>>
      %dma_wait3A_476 = arith.constant 0 : i32
      %dma_wait3A_477 = tpu.memref_slice %arg5[%add3A_472, %dma_wait3A_476] : memref<200x128xi32, #tpu.memory_space<vmem>> -> memref<1x128xi32, #tpu.memory_space<vmem>>
      %dma_wait3A_478 = tpu.memref_squeeze %dma_wait3A_477 : memref<1x128xi32, #tpu.memory_space<vmem>> -> memref<128xi32, #tpu.memory_space<vmem>>
      %dma_wait3A_479 = arith.constant 0 : i32
      %dma_wait3A_480 = arith.constant 0 : i32
      %dma_wait3A_481 = tpu.memref_slice %arg3[%dma_wait3A_479, %dma_wait3A_480] : memref<100000x64xf32, #tpu.memory_space<hbm>> -> memref<100000x64xf32, #tpu.memory_space<hbm>>
      tpu.wait_indirect_dma semaphore(%arg13 : memref<!tpu.dma_semaphore, #tpu.memory_space<semaphore_mem>>) src(%dma_wait3A_481 : memref<100000x64xf32, #tpu.memory_space<hbm>>) dst(%dma_wait3A_475 : memref<128x64xf32, #tpu.memory_space<vmem>>)
      %add3A_482 = arith.constant 3 : i32
      %add3A_483 = arith.addi %mul3A_331, %add3A_482 : i32
      %mul3A_484 = arith.constant 2 : i32
      %mul3A_485 = arith.muli %mul3A_484, %add3A_483 : i32
      %add3A_486 = arith.constant 1 : i32
      %add3A_487 = arith.addi %mul3A_485, %add3A_486 : i32
      %dma_wait3A_488 = arith.constant 896 : i32
      %dma_wait3A_489 = arith.constant 0 : i32
      %dma_wait3A_490 = tpu.memref_slice %arg6[%dma_wait3A_488, %dma_wait3A_489] : memref<1280x64xf32, #tpu.memory_space<vmem>> -> memref<128x64xf32, #tpu.memory_space<vmem>>
      %dma_wait3A_491 = arith.constant 0 : i32
      %dma_wait3A_492 = tpu.memref_slice %arg5[%add3A_487, %dma_wait3A_491] : memref<200x128xi32, #tpu.memory_space<vmem>> -> memref<1x128xi32, #tpu.memory_space<vmem>>
      %dma_wait3A_493 = tpu.memref_squeeze %dma_wait3A_492 : memref<1x128xi32, #tpu.memory_space<vmem>> -> memref<128xi32, #tpu.memory_space<vmem>>
      %dma_wait3A_494 = arith.constant 0 : i32
      %dma_wait3A_495 = arith.constant 0 : i32
      %dma_wait3A_496 = tpu.memref_slice %arg3[%dma_wait3A_494, %dma_wait3A_495] : memref<100000x64xf32, #tpu.memory_space<hbm>> -> memref<100000x64xf32, #tpu.memory_space<hbm>>
      tpu.wait_indirect_dma semaphore(%arg14 : memref<!tpu.dma_semaphore, #tpu.memory_space<semaphore_mem>>) src(%dma_wait3A_496 : memref<100000x64xf32, #tpu.memory_space<hbm>>) dst(%dma_wait3A_490 : memref<128x64xf32, #tpu.memory_space<vmem>>)
      %add3A_497 = arith.constant 3 : i32
      %add3A_498 = arith.addi %mul3A_331, %add3A_497 : i32
      %mul3A_499 = arith.constant 256 : i32
      %mul3A_500 = arith.muli %add3A_498, %mul3A_499 : i32
      %add3A_501 = arith.addi %mul3A_2, %mul3A_500 : i32
      %dma_start3A_502 = arith.constant 768 : i32
      %dma_start3A_503 = arith.constant 0 : i32
      %dma_start3A_504 = tpu.memref_slice %arg6[%dma_start3A_502, %dma_start3A_503] : memref<1280x64xf32, #tpu.memory_space<vmem>> -> memref<256x64xf32, #tpu.memory_space<vmem>>
      %dma_start3A_505 = arith.constant 0 : i32
      %dma_start3A_506 = tpu.memref_slice %arg4[%add3A_501, %dma_start3A_505] : memref<819200x64xf32, #tpu.memory_space<hbm>> -> memref<256x64xf32, #tpu.memory_space<hbm>>
      %dma_start3A_507 = arith.constant 0 : i32
      %dma_start3A_508 = tpu.memref_slice %arg4[%add3A_501, %dma_start3A_507] : memref<819200x64xf32, #tpu.memory_space<hbm>> -> memref<256x64xf32, #tpu.memory_space<hbm>>
      %dma_start3A_509 = arith.constant 768 : i32
      %dma_start3A_510 = arith.constant 0 : i32
      %dma_start3A_511 = tpu.memref_slice %arg6[%dma_start3A_509, %dma_start3A_510] : memref<1280x64xf32, #tpu.memory_space<vmem>> -> memref<256x64xf32, #tpu.memory_space<vmem>>
      tpu.enqueue_dma source(%dma_start3A_511 : memref<256x64xf32, #tpu.memory_space<vmem>>) target(%dma_start3A_508 : memref<256x64xf32, #tpu.memory_space<hbm>>) target_semaphore(%arg20 : memref<!tpu.dma_semaphore, #tpu.memory_space<semaphore_mem>>)
      %add3A_512 = arith.constant 4 : i32
      %add3A_513 = arith.addi %mul3A_331, %add3A_512 : i32
      %mul3A_514 = arith.constant 2 : i32
      %mul3A_515 = arith.muli %mul3A_514, %add3A_513 : i32
      %add3A_516 = arith.constant 0 : i32
      %add3A_517 = arith.addi %mul3A_515, %add3A_516 : i32
      %dma_wait3A_518 = arith.constant 1024 : i32
      %dma_wait3A_519 = arith.constant 0 : i32
      %dma_wait3A_520 = tpu.memref_slice %arg6[%dma_wait3A_518, %dma_wait3A_519] : memref<1280x64xf32, #tpu.memory_space<vmem>> -> memref<128x64xf32, #tpu.memory_space<vmem>>
      %dma_wait3A_521 = arith.constant 0 : i32
      %dma_wait3A_522 = tpu.memref_slice %arg5[%add3A_517, %dma_wait3A_521] : memref<200x128xi32, #tpu.memory_space<vmem>> -> memref<1x128xi32, #tpu.memory_space<vmem>>
      %dma_wait3A_523 = tpu.memref_squeeze %dma_wait3A_522 : memref<1x128xi32, #tpu.memory_space<vmem>> -> memref<128xi32, #tpu.memory_space<vmem>>
      %dma_wait3A_524 = arith.constant 0 : i32
      %dma_wait3A_525 = arith.constant 0 : i32
      %dma_wait3A_526 = tpu.memref_slice %arg3[%dma_wait3A_524, %dma_wait3A_525] : memref<100000x64xf32, #tpu.memory_space<hbm>> -> memref<100000x64xf32, #tpu.memory_space<hbm>>
      tpu.wait_indirect_dma semaphore(%arg15 : memref<!tpu.dma_semaphore, #tpu.memory_space<semaphore_mem>>) src(%dma_wait3A_526 : memref<100000x64xf32, #tpu.memory_space<hbm>>) dst(%dma_wait3A_520 : memref<128x64xf32, #tpu.memory_space<vmem>>)
      %add3A_527 = arith.constant 4 : i32
      %add3A_528 = arith.addi %mul3A_331, %add3A_527 : i32
      %mul3A_529 = arith.constant 2 : i32
      %mul3A_530 = arith.muli %mul3A_529, %add3A_528 : i32
      %add3A_531 = arith.constant 1 : i32
      %add3A_532 = arith.addi %mul3A_530, %add3A_531 : i32
      %dma_wait3A_533 = arith.constant 1152 : i32
      %dma_wait3A_534 = arith.constant 0 : i32
      %dma_wait3A_535 = tpu.memref_slice %arg6[%dma_wait3A_533, %dma_wait3A_534] : memref<1280x64xf32, #tpu.memory_space<vmem>> -> memref<128x64xf32, #tpu.memory_space<vmem>>
      %dma_wait3A_536 = arith.constant 0 : i32
      %dma_wait3A_537 = tpu.memref_slice %arg5[%add3A_532, %dma_wait3A_536] : memref<200x128xi32, #tpu.memory_space<vmem>> -> memref<1x128xi32, #tpu.memory_space<vmem>>
      %dma_wait3A_538 = tpu.memref_squeeze %dma_wait3A_537 : memref<1x128xi32, #tpu.memory_space<vmem>> -> memref<128xi32, #tpu.memory_space<vmem>>
      %dma_wait3A_539 = arith.constant 0 : i32
      %dma_wait3A_540 = arith.constant 0 : i32
      %dma_wait3A_541 = tpu.memref_slice %arg3[%dma_wait3A_539, %dma_wait3A_540] : memref<100000x64xf32, #tpu.memory_space<hbm>> -> memref<100000x64xf32, #tpu.memory_space<hbm>>
      tpu.wait_indirect_dma semaphore(%arg16 : memref<!tpu.dma_semaphore, #tpu.memory_space<semaphore_mem>>) src(%dma_wait3A_541 : memref<100000x64xf32, #tpu.memory_space<hbm>>) dst(%dma_wait3A_535 : memref<128x64xf32, #tpu.memory_space<vmem>>)
      %add3A_542 = arith.constant 4 : i32
      %add3A_543 = arith.addi %mul3A_331, %add3A_542 : i32
      %mul3A_544 = arith.constant 256 : i32
      %mul3A_545 = arith.muli %add3A_543, %mul3A_544 : i32
      %add3A_546 = arith.addi %mul3A_2, %mul3A_545 : i32
      %dma_start3A_547 = arith.constant 1024 : i32
      %dma_start3A_548 = arith.constant 0 : i32
      %dma_start3A_549 = tpu.memref_slice %arg6[%dma_start3A_547, %dma_start3A_548] : memref<1280x64xf32, #tpu.memory_space<vmem>> -> memref<256x64xf32, #tpu.memory_space<vmem>>
      %dma_start3A_550 = arith.constant 0 : i32
      %dma_start3A_551 = tpu.memref_slice %arg4[%add3A_546, %dma_start3A_550] : memref<819200x64xf32, #tpu.memory_space<hbm>> -> memref<256x64xf32, #tpu.memory_space<hbm>>
      %dma_start3A_552 = arith.constant 0 : i32
      %dma_start3A_553 = tpu.memref_slice %arg4[%add3A_546, %dma_start3A_552] : memref<819200x64xf32, #tpu.memory_space<hbm>> -> memref<256x64xf32, #tpu.memory_space<hbm>>
      %dma_start3A_554 = arith.constant 1024 : i32
      %dma_start3A_555 = arith.constant 0 : i32
      %dma_start3A_556 = tpu.memref_slice %arg6[%dma_start3A_554, %dma_start3A_555] : memref<1280x64xf32, #tpu.memory_space<vmem>> -> memref<256x64xf32, #tpu.memory_space<vmem>>
      tpu.enqueue_dma source(%dma_start3A_556 : memref<256x64xf32, #tpu.memory_space<vmem>>) target(%dma_start3A_553 : memref<256x64xf32, #tpu.memory_space<hbm>>) target_semaphore(%arg21 : memref<!tpu.dma_semaphore, #tpu.memory_space<semaphore_mem>>)
      %add3A_557 = arith.constant 0 : i32
      %add3A_558 = arith.addi %mul3A_331, %add3A_557 : i32
      %mul3A_559 = arith.constant 256 : i32
      %mul3A_560 = arith.muli %add3A_558, %mul3A_559 : i32
      %add3A_561 = arith.addi %mul3A_2, %mul3A_560 : i32
      %dma_wait3A_562 = arith.constant 0 : i32
      %dma_wait3A_563 = arith.constant 0 : i32
      %dma_wait3A_564 = tpu.memref_slice %arg6[%dma_wait3A_562, %dma_wait3A_563] : memref<1280x64xf32, #tpu.memory_space<vmem>> -> memref<256x64xf32, #tpu.memory_space<vmem>>
      %dma_wait3A_565 = arith.constant 0 : i32
      %dma_wait3A_566 = tpu.memref_slice %arg4[%add3A_561, %dma_wait3A_565] : memref<819200x64xf32, #tpu.memory_space<hbm>> -> memref<256x64xf32, #tpu.memory_space<hbm>>
      %dma_wait3A_567 = arith.constant 0 : i32
      %dma_wait3A_568 = tpu.memref_slice %arg4[%add3A_561, %dma_wait3A_567] : memref<819200x64xf32, #tpu.memory_space<hbm>> -> memref<256x64xf32, #tpu.memory_space<hbm>>
      %dma_wait3A_569 = arith.constant 0 : i32
      %dma_wait3A_570 = arith.constant 0 : i32
      %dma_wait3A_571 = tpu.memref_slice %arg6[%dma_wait3A_569, %dma_wait3A_570] : memref<1280x64xf32, #tpu.memory_space<vmem>> -> memref<256x64xf32, #tpu.memory_space<vmem>>
      tpu.wait_dma2 semaphore(%arg17 : memref<!tpu.dma_semaphore, #tpu.memory_space<semaphore_mem>>) src(%dma_wait3A_571 : memref<256x64xf32, #tpu.memory_space<vmem>>) dst(%dma_wait3A_568 : memref<256x64xf32, #tpu.memory_space<hbm>>)
      %add3A_572 = arith.constant 5 : i32
      %add3A_573 = arith.addi %mul3A_331, %add3A_572 : i32
      %add3A_574 = arith.constant 0 : i32
      %add3A_575 = arith.addi %add3A_573, %add3A_574 : i32
      %mul3A_576 = arith.constant 2 : i32
      %mul3A_577 = arith.muli %mul3A_576, %add3A_575 : i32
      %add3A_578 = arith.constant 0 : i32
      %add3A_579 = arith.addi %mul3A_577, %add3A_578 : i32
      %dma_start3A_580 = arith.constant 0 : i32
      %dma_start3A_581 = arith.constant 0 : i32
      %dma_start3A_582 = tpu.memref_slice %arg6[%dma_start3A_580, %dma_start3A_581] : memref<1280x64xf32, #tpu.memory_space<vmem>> -> memref<128x64xf32, #tpu.memory_space<vmem>>
      %dma_start3A_583 = arith.constant 0 : i32
      %dma_start3A_584 = tpu.memref_slice %arg5[%add3A_579, %dma_start3A_583] : memref<200x128xi32, #tpu.memory_space<vmem>> -> memref<1x128xi32, #tpu.memory_space<vmem>>
      %dma_start3A_585 = tpu.memref_squeeze %dma_start3A_584 : memref<1x128xi32, #tpu.memory_space<vmem>> -> memref<128xi32, #tpu.memory_space<vmem>>
      %dma_start3A_586 = arith.constant 0 : i32
      %dma_start3A_587 = arith.constant 0 : i32
      %dma_start3A_588 = tpu.memref_slice %arg3[%dma_start3A_586, %dma_start3A_587] : memref<100000x64xf32, #tpu.memory_space<hbm>> -> memref<100000x64xf32, #tpu.memory_space<hbm>>
      tpu.enqueue_indirect_dma source(%dma_start3A_588 : memref<100000x64xf32, #tpu.memory_space<hbm>>) target(%dma_start3A_582 : memref<128x64xf32, #tpu.memory_space<vmem>>) offsets(%dma_start3A_585 : memref<128xi32, #tpu.memory_space<vmem>>) semaphore(%arg7 : memref<!tpu.dma_semaphore, #tpu.memory_space<semaphore_mem>>)
      %add3A_589 = arith.constant 5 : i32
      %add3A_590 = arith.addi %mul3A_331, %add3A_589 : i32
      %add3A_591 = arith.constant 0 : i32
      %add3A_592 = arith.addi %add3A_590, %add3A_591 : i32
      %mul3A_593 = arith.constant 2 : i32
      %mul3A_594 = arith.muli %mul3A_593, %add3A_592 : i32
      %add3A_595 = arith.constant 1 : i32
      %add3A_596 = arith.addi %mul3A_594, %add3A_595 : i32
      %dma_start3A_597 = arith.constant 128 : i32
      %dma_start3A_598 = arith.constant 0 : i32
      %dma_start3A_599 = tpu.memref_slice %arg6[%dma_start3A_597, %dma_start3A_598] : memref<1280x64xf32, #tpu.memory_space<vmem>> -> memref<128x64xf32, #tpu.memory_space<vmem>>
      %dma_start3A_600 = arith.constant 0 : i32
      %dma_start3A_601 = tpu.memref_slice %arg5[%add3A_596, %dma_start3A_600] : memref<200x128xi32, #tpu.memory_space<vmem>> -> memref<1x128xi32, #tpu.memory_space<vmem>>
      %dma_start3A_602 = tpu.memref_squeeze %dma_start3A_601 : memref<1x128xi32, #tpu.memory_space<vmem>> -> memref<128xi32, #tpu.memory_space<vmem>>
      %dma_start3A_603 = arith.constant 0 : i32
      %dma_start3A_604 = arith.constant 0 : i32
      %dma_start3A_605 = tpu.memref_slice %arg3[%dma_start3A_603, %dma_start3A_604] : memref<100000x64xf32, #tpu.memory_space<hbm>> -> memref<100000x64xf32, #tpu.memory_space<hbm>>
      tpu.enqueue_indirect_dma source(%dma_start3A_605 : memref<100000x64xf32, #tpu.memory_space<hbm>>) target(%dma_start3A_599 : memref<128x64xf32, #tpu.memory_space<vmem>>) offsets(%dma_start3A_602 : memref<128xi32, #tpu.memory_space<vmem>>) semaphore(%arg8 : memref<!tpu.dma_semaphore, #tpu.memory_space<semaphore_mem>>)
      %add3A_606 = arith.constant 1 : i32
      %add3A_607 = arith.addi %mul3A_331, %add3A_606 : i32
      %mul3A_608 = arith.constant 256 : i32
      %mul3A_609 = arith.muli %add3A_607, %mul3A_608 : i32
      %add3A_610 = arith.addi %mul3A_2, %mul3A_609 : i32
      %dma_wait3A_611 = arith.constant 256 : i32
      %dma_wait3A_612 = arith.constant 0 : i32
      %dma_wait3A_613 = tpu.memref_slice %arg6[%dma_wait3A_611, %dma_wait3A_612] : memref<1280x64xf32, #tpu.memory_space<vmem>> -> memref<256x64xf32, #tpu.memory_space<vmem>>
      %dma_wait3A_614 = arith.constant 0 : i32
      %dma_wait3A_615 = tpu.memref_slice %arg4[%add3A_610, %dma_wait3A_614] : memref<819200x64xf32, #tpu.memory_space<hbm>> -> memref<256x64xf32, #tpu.memory_space<hbm>>
      %dma_wait3A_616 = arith.constant 0 : i32
      %dma_wait3A_617 = tpu.memref_slice %arg4[%add3A_610, %dma_wait3A_616] : memref<819200x64xf32, #tpu.memory_space<hbm>> -> memref<256x64xf32, #tpu.memory_space<hbm>>
      %dma_wait3A_618 = arith.constant 256 : i32
      %dma_wait3A_619 = arith.constant 0 : i32
      %dma_wait3A_620 = tpu.memref_slice %arg6[%dma_wait3A_618, %dma_wait3A_619] : memref<1280x64xf32, #tpu.memory_space<vmem>> -> memref<256x64xf32, #tpu.memory_space<vmem>>
      tpu.wait_dma2 semaphore(%arg18 : memref<!tpu.dma_semaphore, #tpu.memory_space<semaphore_mem>>) src(%dma_wait3A_620 : memref<256x64xf32, #tpu.memory_space<vmem>>) dst(%dma_wait3A_617 : memref<256x64xf32, #tpu.memory_space<hbm>>)
      %add3A_621 = arith.constant 5 : i32
      %add3A_622 = arith.addi %mul3A_331, %add3A_621 : i32
      %add3A_623 = arith.constant 1 : i32
      %add3A_624 = arith.addi %add3A_622, %add3A_623 : i32
      %mul3A_625 = arith.constant 2 : i32
      %mul3A_626 = arith.muli %mul3A_625, %add3A_624 : i32
      %add3A_627 = arith.constant 0 : i32
      %add3A_628 = arith.addi %mul3A_626, %add3A_627 : i32
      %dma_start3A_629 = arith.constant 256 : i32
      %dma_start3A_630 = arith.constant 0 : i32
      %dma_start3A_631 = tpu.memref_slice %arg6[%dma_start3A_629, %dma_start3A_630] : memref<1280x64xf32, #tpu.memory_space<vmem>> -> memref<128x64xf32, #tpu.memory_space<vmem>>
      %dma_start3A_632 = arith.constant 0 : i32
      %dma_start3A_633 = tpu.memref_slice %arg5[%add3A_628, %dma_start3A_632] : memref<200x128xi32, #tpu.memory_space<vmem>> -> memref<1x128xi32, #tpu.memory_space<vmem>>
      %dma_start3A_634 = tpu.memref_squeeze %dma_start3A_633 : memref<1x128xi32, #tpu.memory_space<vmem>> -> memref<128xi32, #tpu.memory_space<vmem>>
      %dma_start3A_635 = arith.constant 0 : i32
      %dma_start3A_636 = arith.constant 0 : i32
      %dma_start3A_637 = tpu.memref_slice %arg3[%dma_start3A_635, %dma_start3A_636] : memref<100000x64xf32, #tpu.memory_space<hbm>> -> memref<100000x64xf32, #tpu.memory_space<hbm>>
      tpu.enqueue_indirect_dma source(%dma_start3A_637 : memref<100000x64xf32, #tpu.memory_space<hbm>>) target(%dma_start3A_631 : memref<128x64xf32, #tpu.memory_space<vmem>>) offsets(%dma_start3A_634 : memref<128xi32, #tpu.memory_space<vmem>>) semaphore(%arg9 : memref<!tpu.dma_semaphore, #tpu.memory_space<semaphore_mem>>)
      %add3A_638 = arith.constant 5 : i32
      %add3A_639 = arith.addi %mul3A_331, %add3A_638 : i32
      %add3A_640 = arith.constant 1 : i32
      %add3A_641 = arith.addi %add3A_639, %add3A_640 : i32
      %mul3A_642 = arith.constant 2 : i32
      %mul3A_643 = arith.muli %mul3A_642, %add3A_641 : i32
      %add3A_644 = arith.constant 1 : i32
      %add3A_645 = arith.addi %mul3A_643, %add3A_644 : i32
      %dma_start3A_646 = arith.constant 384 : i32
      %dma_start3A_647 = arith.constant 0 : i32
      %dma_start3A_648 = tpu.memref_slice %arg6[%dma_start3A_646, %dma_start3A_647] : memref<1280x64xf32, #tpu.memory_space<vmem>> -> memref<128x64xf32, #tpu.memory_space<vmem>>
      %dma_start3A_649 = arith.constant 0 : i32
      %dma_start3A_650 = tpu.memref_slice %arg5[%add3A_645, %dma_start3A_649] : memref<200x128xi32, #tpu.memory_space<vmem>> -> memref<1x128xi32, #tpu.memory_space<vmem>>
      %dma_start3A_651 = tpu.memref_squeeze %dma_start3A_650 : memref<1x128xi32, #tpu.memory_space<vmem>> -> memref<128xi32, #tpu.memory_space<vmem>>
      %dma_start3A_652 = arith.constant 0 : i32
      %dma_start3A_653 = arith.constant 0 : i32
      %dma_start3A_654 = tpu.memref_slice %arg3[%dma_start3A_652, %dma_start3A_653] : memref<100000x64xf32, #tpu.memory_space<hbm>> -> memref<100000x64xf32, #tpu.memory_space<hbm>>
      tpu.enqueue_indirect_dma source(%dma_start3A_654 : memref<100000x64xf32, #tpu.memory_space<hbm>>) target(%dma_start3A_648 : memref<128x64xf32, #tpu.memory_space<vmem>>) offsets(%dma_start3A_651 : memref<128xi32, #tpu.memory_space<vmem>>) semaphore(%arg10 : memref<!tpu.dma_semaphore, #tpu.memory_space<semaphore_mem>>)
      %add3A_655 = arith.constant 2 : i32
      %add3A_656 = arith.addi %mul3A_331, %add3A_655 : i32
      %mul3A_657 = arith.constant 256 : i32
      %mul3A_658 = arith.muli %add3A_656, %mul3A_657 : i32
      %add3A_659 = arith.addi %mul3A_2, %mul3A_658 : i32
      %dma_wait3A_660 = arith.constant 512 : i32
      %dma_wait3A_661 = arith.constant 0 : i32
      %dma_wait3A_662 = tpu.memref_slice %arg6[%dma_wait3A_660, %dma_wait3A_661] : memref<1280x64xf32, #tpu.memory_space<vmem>> -> memref<256x64xf32, #tpu.memory_space<vmem>>
      %dma_wait3A_663 = arith.constant 0 : i32
      %dma_wait3A_664 = tpu.memref_slice %arg4[%add3A_659, %dma_wait3A_663] : memref<819200x64xf32, #tpu.memory_space<hbm>> -> memref<256x64xf32, #tpu.memory_space<hbm>>
      %dma_wait3A_665 = arith.constant 0 : i32
      %dma_wait3A_666 = tpu.memref_slice %arg4[%add3A_659, %dma_wait3A_665] : memref<819200x64xf32, #tpu.memory_space<hbm>> -> memref<256x64xf32, #tpu.memory_space<hbm>>
      %dma_wait3A_667 = arith.constant 512 : i32
      %dma_wait3A_668 = arith.constant 0 : i32
      %dma_wait3A_669 = tpu.memref_slice %arg6[%dma_wait3A_667, %dma_wait3A_668] : memref<1280x64xf32, #tpu.memory_space<vmem>> -> memref<256x64xf32, #tpu.memory_space<vmem>>
      tpu.wait_dma2 semaphore(%arg19 : memref<!tpu.dma_semaphore, #tpu.memory_space<semaphore_mem>>) src(%dma_wait3A_669 : memref<256x64xf32, #tpu.memory_space<vmem>>) dst(%dma_wait3A_666 : memref<256x64xf32, #tpu.memory_space<hbm>>)
      %add3A_670 = arith.constant 5 : i32
      %add3A_671 = arith.addi %mul3A_331, %add3A_670 : i32
      %add3A_672 = arith.constant 2 : i32
      %add3A_673 = arith.addi %add3A_671, %add3A_672 : i32
      %mul3A_674 = arith.constant 2 : i32
      %mul3A_675 = arith.muli %mul3A_674, %add3A_673 : i32
      %add3A_676 = arith.constant 0 : i32
      %add3A_677 = arith.addi %mul3A_675, %add3A_676 : i32
      %dma_start3A_678 = arith.constant 512 : i32
      %dma_start3A_679 = arith.constant 0 : i32
      %dma_start3A_680 = tpu.memref_slice %arg6[%dma_start3A_678, %dma_start3A_679] : memref<1280x64xf32, #tpu.memory_space<vmem>> -> memref<128x64xf32, #tpu.memory_space<vmem>>
      %dma_start3A_681 = arith.constant 0 : i32
      %dma_start3A_682 = tpu.memref_slice %arg5[%add3A_677, %dma_start3A_681] : memref<200x128xi32, #tpu.memory_space<vmem>> -> memref<1x128xi32, #tpu.memory_space<vmem>>
      %dma_start3A_683 = tpu.memref_squeeze %dma_start3A_682 : memref<1x128xi32, #tpu.memory_space<vmem>> -> memref<128xi32, #tpu.memory_space<vmem>>
      %dma_start3A_684 = arith.constant 0 : i32
      %dma_start3A_685 = arith.constant 0 : i32
      %dma_start3A_686 = tpu.memref_slice %arg3[%dma_start3A_684, %dma_start3A_685] : memref<100000x64xf32, #tpu.memory_space<hbm>> -> memref<100000x64xf32, #tpu.memory_space<hbm>>
      tpu.enqueue_indirect_dma source(%dma_start3A_686 : memref<100000x64xf32, #tpu.memory_space<hbm>>) target(%dma_start3A_680 : memref<128x64xf32, #tpu.memory_space<vmem>>) offsets(%dma_start3A_683 : memref<128xi32, #tpu.memory_space<vmem>>) semaphore(%arg11 : memref<!tpu.dma_semaphore, #tpu.memory_space<semaphore_mem>>)
      %add3A_687 = arith.constant 5 : i32
      %add3A_688 = arith.addi %mul3A_331, %add3A_687 : i32
      %add3A_689 = arith.constant 2 : i32
      %add3A_690 = arith.addi %add3A_688, %add3A_689 : i32
      %mul3A_691 = arith.constant 2 : i32
      %mul3A_692 = arith.muli %mul3A_691, %add3A_690 : i32
      %add3A_693 = arith.constant 1 : i32
      %add3A_694 = arith.addi %mul3A_692, %add3A_693 : i32
      %dma_start3A_695 = arith.constant 640 : i32
      %dma_start3A_696 = arith.constant 0 : i32
      %dma_start3A_697 = tpu.memref_slice %arg6[%dma_start3A_695, %dma_start3A_696] : memref<1280x64xf32, #tpu.memory_space<vmem>> -> memref<128x64xf32, #tpu.memory_space<vmem>>
      %dma_start3A_698 = arith.constant 0 : i32
      %dma_start3A_699 = tpu.memref_slice %arg5[%add3A_694, %dma_start3A_698] : memref<200x128xi32, #tpu.memory_space<vmem>> -> memref<1x128xi32, #tpu.memory_space<vmem>>
      %dma_start3A_700 = tpu.memref_squeeze %dma_start3A_699 : memref<1x128xi32, #tpu.memory_space<vmem>> -> memref<128xi32, #tpu.memory_space<vmem>>
      %dma_start3A_701 = arith.constant 0 : i32
      %dma_start3A_702 = arith.constant 0 : i32
      %dma_start3A_703 = tpu.memref_slice %arg3[%dma_start3A_701, %dma_start3A_702] : memref<100000x64xf32, #tpu.memory_space<hbm>> -> memref<100000x64xf32, #tpu.memory_space<hbm>>
      tpu.enqueue_indirect_dma source(%dma_start3A_703 : memref<100000x64xf32, #tpu.memory_space<hbm>>) target(%dma_start3A_697 : memref<128x64xf32, #tpu.memory_space<vmem>>) offsets(%dma_start3A_700 : memref<128xi32, #tpu.memory_space<vmem>>) semaphore(%arg12 : memref<!tpu.dma_semaphore, #tpu.memory_space<semaphore_mem>>)
      %add3A_704 = arith.constant 3 : i32
      %add3A_705 = arith.addi %mul3A_331, %add3A_704 : i32
      %mul3A_706 = arith.constant 256 : i32
      %mul3A_707 = arith.muli %add3A_705, %mul3A_706 : i32
      %add3A_708 = arith.addi %mul3A_2, %mul3A_707 : i32
      %dma_wait3A_709 = arith.constant 768 : i32
      %dma_wait3A_710 = arith.constant 0 : i32
      %dma_wait3A_711 = tpu.memref_slice %arg6[%dma_wait3A_709, %dma_wait3A_710] : memref<1280x64xf32, #tpu.memory_space<vmem>> -> memref<256x64xf32, #tpu.memory_space<vmem>>
      %dma_wait3A_712 = arith.constant 0 : i32
      %dma_wait3A_713 = tpu.memref_slice %arg4[%add3A_708, %dma_wait3A_712] : memref<819200x64xf32, #tpu.memory_space<hbm>> -> memref<256x64xf32, #tpu.memory_space<hbm>>
      %dma_wait3A_714 = arith.constant 0 : i32
      %dma_wait3A_715 = tpu.memref_slice %arg4[%add3A_708, %dma_wait3A_714] : memref<819200x64xf32, #tpu.memory_space<hbm>> -> memref<256x64xf32, #tpu.memory_space<hbm>>
      %dma_wait3A_716 = arith.constant 768 : i32
      %dma_wait3A_717 = arith.constant 0 : i32
      %dma_wait3A_718 = tpu.memref_slice %arg6[%dma_wait3A_716, %dma_wait3A_717] : memref<1280x64xf32, #tpu.memory_space<vmem>> -> memref<256x64xf32, #tpu.memory_space<vmem>>
      tpu.wait_dma2 semaphore(%arg20 : memref<!tpu.dma_semaphore, #tpu.memory_space<semaphore_mem>>) src(%dma_wait3A_718 : memref<256x64xf32, #tpu.memory_space<vmem>>) dst(%dma_wait3A_715 : memref<256x64xf32, #tpu.memory_space<hbm>>)
      %add3A_719 = arith.constant 5 : i32
      %add3A_720 = arith.addi %mul3A_331, %add3A_719 : i32
      %add3A_721 = arith.constant 3 : i32
      %add3A_722 = arith.addi %add3A_720, %add3A_721 : i32
      %mul3A_723 = arith.constant 2 : i32
      %mul3A_724 = arith.muli %mul3A_723, %add3A_722 : i32
      %add3A_725 = arith.constant 0 : i32
      %add3A_726 = arith.addi %mul3A_724, %add3A_725 : i32
      %dma_start3A_727 = arith.constant 768 : i32
      %dma_start3A_728 = arith.constant 0 : i32
      %dma_start3A_729 = tpu.memref_slice %arg6[%dma_start3A_727, %dma_start3A_728] : memref<1280x64xf32, #tpu.memory_space<vmem>> -> memref<128x64xf32, #tpu.memory_space<vmem>>
      %dma_start3A_730 = arith.constant 0 : i32
      %dma_start3A_731 = tpu.memref_slice %arg5[%add3A_726, %dma_start3A_730] : memref<200x128xi32, #tpu.memory_space<vmem>> -> memref<1x128xi32, #tpu.memory_space<vmem>>
      %dma_start3A_732 = tpu.memref_squeeze %dma_start3A_731 : memref<1x128xi32, #tpu.memory_space<vmem>> -> memref<128xi32, #tpu.memory_space<vmem>>
      %dma_start3A_733 = arith.constant 0 : i32
      %dma_start3A_734 = arith.constant 0 : i32
      %dma_start3A_735 = tpu.memref_slice %arg3[%dma_start3A_733, %dma_start3A_734] : memref<100000x64xf32, #tpu.memory_space<hbm>> -> memref<100000x64xf32, #tpu.memory_space<hbm>>
      tpu.enqueue_indirect_dma source(%dma_start3A_735 : memref<100000x64xf32, #tpu.memory_space<hbm>>) target(%dma_start3A_729 : memref<128x64xf32, #tpu.memory_space<vmem>>) offsets(%dma_start3A_732 : memref<128xi32, #tpu.memory_space<vmem>>) semaphore(%arg13 : memref<!tpu.dma_semaphore, #tpu.memory_space<semaphore_mem>>)
      %add3A_736 = arith.constant 5 : i32
      %add3A_737 = arith.addi %mul3A_331, %add3A_736 : i32
      %add3A_738 = arith.constant 3 : i32
      %add3A_739 = arith.addi %add3A_737, %add3A_738 : i32
      %mul3A_740 = arith.constant 2 : i32
      %mul3A_741 = arith.muli %mul3A_740, %add3A_739 : i32
      %add3A_742 = arith.constant 1 : i32
      %add3A_743 = arith.addi %mul3A_741, %add3A_742 : i32
      %dma_start3A_744 = arith.constant 896 : i32
      %dma_start3A_745 = arith.constant 0 : i32
      %dma_start3A_746 = tpu.memref_slice %arg6[%dma_start3A_744, %dma_start3A_745] : memref<1280x64xf32, #tpu.memory_space<vmem>> -> memref<128x64xf32, #tpu.memory_space<vmem>>
      %dma_start3A_747 = arith.constant 0 : i32
      %dma_start3A_748 = tpu.memref_slice %arg5[%add3A_743, %dma_start3A_747] : memref<200x128xi32, #tpu.memory_space<vmem>> -> memref<1x128xi32, #tpu.memory_space<vmem>>
      %dma_start3A_749 = tpu.memref_squeeze %dma_start3A_748 : memref<1x128xi32, #tpu.memory_space<vmem>> -> memref<128xi32, #tpu.memory_space<vmem>>
      %dma_start3A_750 = arith.constant 0 : i32
      %dma_start3A_751 = arith.constant 0 : i32
      %dma_start3A_752 = tpu.memref_slice %arg3[%dma_start3A_750, %dma_start3A_751] : memref<100000x64xf32, #tpu.memory_space<hbm>> -> memref<100000x64xf32, #tpu.memory_space<hbm>>
      tpu.enqueue_indirect_dma source(%dma_start3A_752 : memref<100000x64xf32, #tpu.memory_space<hbm>>) target(%dma_start3A_746 : memref<128x64xf32, #tpu.memory_space<vmem>>) offsets(%dma_start3A_749 : memref<128xi32, #tpu.memory_space<vmem>>) semaphore(%arg14 : memref<!tpu.dma_semaphore, #tpu.memory_space<semaphore_mem>>)
      %add3A_753 = arith.constant 4 : i32
      %add3A_754 = arith.addi %mul3A_331, %add3A_753 : i32
      %mul3A_755 = arith.constant 256 : i32
      %mul3A_756 = arith.muli %add3A_754, %mul3A_755 : i32
      %add3A_757 = arith.addi %mul3A_2, %mul3A_756 : i32
      %dma_wait3A_758 = arith.constant 1024 : i32
      %dma_wait3A_759 = arith.constant 0 : i32
      %dma_wait3A_760 = tpu.memref_slice %arg6[%dma_wait3A_758, %dma_wait3A_759] : memref<1280x64xf32, #tpu.memory_space<vmem>> -> memref<256x64xf32, #tpu.memory_space<vmem>>
      %dma_wait3A_761 = arith.constant 0 : i32
      %dma_wait3A_762 = tpu.memref_slice %arg4[%add3A_757, %dma_wait3A_761] : memref<819200x64xf32, #tpu.memory_space<hbm>> -> memref<256x64xf32, #tpu.memory_space<hbm>>
      %dma_wait3A_763 = arith.constant 0 : i32
      %dma_wait3A_764 = tpu.memref_slice %arg4[%add3A_757, %dma_wait3A_763] : memref<819200x64xf32, #tpu.memory_space<hbm>> -> memref<256x64xf32, #tpu.memory_space<hbm>>
      %dma_wait3A_765 = arith.constant 1024 : i32
      %dma_wait3A_766 = arith.constant 0 : i32
      %dma_wait3A_767 = tpu.memref_slice %arg6[%dma_wait3A_765, %dma_wait3A_766] : memref<1280x64xf32, #tpu.memory_space<vmem>> -> memref<256x64xf32, #tpu.memory_space<vmem>>
      tpu.wait_dma2 semaphore(%arg21 : memref<!tpu.dma_semaphore, #tpu.memory_space<semaphore_mem>>) src(%dma_wait3A_767 : memref<256x64xf32, #tpu.memory_space<vmem>>) dst(%dma_wait3A_764 : memref<256x64xf32, #tpu.memory_space<hbm>>)
      %add3A_768 = arith.constant 5 : i32
      %add3A_769 = arith.addi %mul3A_331, %add3A_768 : i32
      %add3A_770 = arith.constant 4 : i32
      %add3A_771 = arith.addi %add3A_769, %add3A_770 : i32
      %mul3A_772 = arith.constant 2 : i32
      %mul3A_773 = arith.muli %mul3A_772, %add3A_771 : i32
      %add3A_774 = arith.constant 0 : i32
      %add3A_775 = arith.addi %mul3A_773, %add3A_774 : i32
      %dma_start3A_776 = arith.constant 1024 : i32
      %dma_start3A_777 = arith.constant 0 : i32
      %dma_start3A_778 = tpu.memref_slice %arg6[%dma_start3A_776, %dma_start3A_777] : memref<1280x64xf32, #tpu.memory_space<vmem>> -> memref<128x64xf32, #tpu.memory_space<vmem>>
      %dma_start3A_779 = arith.constant 0 : i32
      %dma_start3A_780 = tpu.memref_slice %arg5[%add3A_775, %dma_start3A_779] : memref<200x128xi32, #tpu.memory_space<vmem>> -> memref<1x128xi32, #tpu.memory_space<vmem>>
      %dma_start3A_781 = tpu.memref_squeeze %dma_start3A_780 : memref<1x128xi32, #tpu.memory_space<vmem>> -> memref<128xi32, #tpu.memory_space<vmem>>
      %dma_start3A_782 = arith.constant 0 : i32
      %dma_start3A_783 = arith.constant 0 : i32
      %dma_start3A_784 = tpu.memref_slice %arg3[%dma_start3A_782, %dma_start3A_783] : memref<100000x64xf32, #tpu.memory_space<hbm>> -> memref<100000x64xf32, #tpu.memory_space<hbm>>
      tpu.enqueue_indirect_dma source(%dma_start3A_784 : memref<100000x64xf32, #tpu.memory_space<hbm>>) target(%dma_start3A_778 : memref<128x64xf32, #tpu.memory_space<vmem>>) offsets(%dma_start3A_781 : memref<128xi32, #tpu.memory_space<vmem>>) semaphore(%arg15 : memref<!tpu.dma_semaphore, #tpu.memory_space<semaphore_mem>>)
      %add3A_785 = arith.constant 5 : i32
      %add3A_786 = arith.addi %mul3A_331, %add3A_785 : i32
      %add3A_787 = arith.constant 4 : i32
      %add3A_788 = arith.addi %add3A_786, %add3A_787 : i32
      %mul3A_789 = arith.constant 2 : i32
      %mul3A_790 = arith.muli %mul3A_789, %add3A_788 : i32
      %add3A_791 = arith.constant 1 : i32
      %add3A_792 = arith.addi %mul3A_790, %add3A_791 : i32
      %dma_start3A_793 = arith.constant 1152 : i32
      %dma_start3A_794 = arith.constant 0 : i32
      %dma_start3A_795 = tpu.memref_slice %arg6[%dma_start3A_793, %dma_start3A_794] : memref<1280x64xf32, #tpu.memory_space<vmem>> -> memref<128x64xf32, #tpu.memory_space<vmem>>
      %dma_start3A_796 = arith.constant 0 : i32
      %dma_start3A_797 = tpu.memref_slice %arg5[%add3A_792, %dma_start3A_796] : memref<200x128xi32, #tpu.memory_space<vmem>> -> memref<1x128xi32, #tpu.memory_space<vmem>>
      %dma_start3A_798 = tpu.memref_squeeze %dma_start3A_797 : memref<1x128xi32, #tpu.memory_space<vmem>> -> memref<128xi32, #tpu.memory_space<vmem>>
      %dma_start3A_799 = arith.constant 0 : i32
      %dma_start3A_800 = arith.constant 0 : i32
      %dma_start3A_801 = tpu.memref_slice %arg3[%dma_start3A_799, %dma_start3A_800] : memref<100000x64xf32, #tpu.memory_space<hbm>> -> memref<100000x64xf32, #tpu.memory_space<hbm>>
      tpu.enqueue_indirect_dma source(%dma_start3A_801 : memref<100000x64xf32, #tpu.memory_space<hbm>>) target(%dma_start3A_795 : memref<128x64xf32, #tpu.memory_space<vmem>>) offsets(%dma_start3A_798 : memref<128xi32, #tpu.memory_space<vmem>>) semaphore(%arg16 : memref<!tpu.dma_semaphore, #tpu.memory_space<semaphore_mem>>)
    }
    %scan3A_105 = arith.constant 19 : i32
    %dma_wait3A = arith.constant 190 : i32
    %dma_wait3A_106 = arith.constant 0 : i32
    %dma_wait3A_107 = arith.constant 0 : i32
    %dma_wait3A_108 = tpu.memref_slice %arg6[%dma_wait3A_106, %dma_wait3A_107] : memref<1280x64xf32, #tpu.memory_space<vmem>> -> memref<128x64xf32, #tpu.memory_space<vmem>>
    %dma_wait3A_109 = arith.constant 0 : i32
    %dma_wait3A_110 = tpu.memref_slice %arg5[%dma_wait3A, %dma_wait3A_109] : memref<200x128xi32, #tpu.memory_space<vmem>> -> memref<1x128xi32, #tpu.memory_space<vmem>>
    %dma_wait3A_111 = tpu.memref_squeeze %dma_wait3A_110 : memref<1x128xi32, #tpu.memory_space<vmem>> -> memref<128xi32, #tpu.memory_space<vmem>>
    %dma_wait3A_112 = arith.constant 0 : i32
    %dma_wait3A_113 = arith.constant 0 : i32
    %dma_wait3A_114 = tpu.memref_slice %arg3[%dma_wait3A_112, %dma_wait3A_113] : memref<100000x64xf32, #tpu.memory_space<hbm>> -> memref<100000x64xf32, #tpu.memory_space<hbm>>
    tpu.wait_indirect_dma semaphore(%arg7 : memref<!tpu.dma_semaphore, #tpu.memory_space<semaphore_mem>>) src(%dma_wait3A_114 : memref<100000x64xf32, #tpu.memory_space<hbm>>) dst(%dma_wait3A_108 : memref<128x64xf32, #tpu.memory_space<vmem>>)
    %dma_wait3A_115 = arith.constant 191 : i32
    %dma_wait3A_116 = arith.constant 128 : i32
    %dma_wait3A_117 = arith.constant 0 : i32
    %dma_wait3A_118 = tpu.memref_slice %arg6[%dma_wait3A_116, %dma_wait3A_117] : memref<1280x64xf32, #tpu.memory_space<vmem>> -> memref<128x64xf32, #tpu.memory_space<vmem>>
    %dma_wait3A_119 = arith.constant 0 : i32
    %dma_wait3A_120 = tpu.memref_slice %arg5[%dma_wait3A_115, %dma_wait3A_119] : memref<200x128xi32, #tpu.memory_space<vmem>> -> memref<1x128xi32, #tpu.memory_space<vmem>>
    %dma_wait3A_121 = tpu.memref_squeeze %dma_wait3A_120 : memref<1x128xi32, #tpu.memory_space<vmem>> -> memref<128xi32, #tpu.memory_space<vmem>>
    %dma_wait3A_122 = arith.constant 0 : i32
    %dma_wait3A_123 = arith.constant 0 : i32
    %dma_wait3A_124 = tpu.memref_slice %arg3[%dma_wait3A_122, %dma_wait3A_123] : memref<100000x64xf32, #tpu.memory_space<hbm>> -> memref<100000x64xf32, #tpu.memory_space<hbm>>
    tpu.wait_indirect_dma semaphore(%arg8 : memref<!tpu.dma_semaphore, #tpu.memory_space<semaphore_mem>>) src(%dma_wait3A_124 : memref<100000x64xf32, #tpu.memory_space<hbm>>) dst(%dma_wait3A_118 : memref<128x64xf32, #tpu.memory_space<vmem>>)
    %add3A_125 = arith.constant 24320 : i32
    %add3A_126 = arith.addi %mul3A_2, %add3A_125 : i32
    %dma_start3A_127 = arith.constant 0 : i32
    %dma_start3A_128 = arith.constant 0 : i32
    %dma_start3A_129 = tpu.memref_slice %arg6[%dma_start3A_127, %dma_start3A_128] : memref<1280x64xf32, #tpu.memory_space<vmem>> -> memref<256x64xf32, #tpu.memory_space<vmem>>
    %dma_start3A_130 = arith.constant 0 : i32
    %dma_start3A_131 = tpu.memref_slice %arg4[%add3A_126, %dma_start3A_130] : memref<819200x64xf32, #tpu.memory_space<hbm>> -> memref<256x64xf32, #tpu.memory_space<hbm>>
    %dma_start3A_132 = arith.constant 0 : i32
    %dma_start3A_133 = tpu.memref_slice %arg4[%add3A_126, %dma_start3A_132] : memref<819200x64xf32, #tpu.memory_space<hbm>> -> memref<256x64xf32, #tpu.memory_space<hbm>>
    %dma_start3A_134 = arith.constant 0 : i32
    %dma_start3A_135 = arith.constant 0 : i32
    %dma_start3A_136 = tpu.memref_slice %arg6[%dma_start3A_134, %dma_start3A_135] : memref<1280x64xf32, #tpu.memory_space<vmem>> -> memref<256x64xf32, #tpu.memory_space<vmem>>
    tpu.enqueue_dma source(%dma_start3A_136 : memref<256x64xf32, #tpu.memory_space<vmem>>) target(%dma_start3A_133 : memref<256x64xf32, #tpu.memory_space<hbm>>) target_semaphore(%arg17 : memref<!tpu.dma_semaphore, #tpu.memory_space<semaphore_mem>>)
    %dma_wait3A_137 = arith.constant 192 : i32
    %dma_wait3A_138 = arith.constant 256 : i32
    %dma_wait3A_139 = arith.constant 0 : i32
    %dma_wait3A_140 = tpu.memref_slice %arg6[%dma_wait3A_138, %dma_wait3A_139] : memref<1280x64xf32, #tpu.memory_space<vmem>> -> memref<128x64xf32, #tpu.memory_space<vmem>>
    %dma_wait3A_141 = arith.constant 0 : i32
    %dma_wait3A_142 = tpu.memref_slice %arg5[%dma_wait3A_137, %dma_wait3A_141] : memref<200x128xi32, #tpu.memory_space<vmem>> -> memref<1x128xi32, #tpu.memory_space<vmem>>
    %dma_wait3A_143 = tpu.memref_squeeze %dma_wait3A_142 : memref<1x128xi32, #tpu.memory_space<vmem>> -> memref<128xi32, #tpu.memory_space<vmem>>
    %dma_wait3A_144 = arith.constant 0 : i32
    %dma_wait3A_145 = arith.constant 0 : i32
    %dma_wait3A_146 = tpu.memref_slice %arg3[%dma_wait3A_144, %dma_wait3A_145] : memref<100000x64xf32, #tpu.memory_space<hbm>> -> memref<100000x64xf32, #tpu.memory_space<hbm>>
    tpu.wait_indirect_dma semaphore(%arg9 : memref<!tpu.dma_semaphore, #tpu.memory_space<semaphore_mem>>) src(%dma_wait3A_146 : memref<100000x64xf32, #tpu.memory_space<hbm>>) dst(%dma_wait3A_140 : memref<128x64xf32, #tpu.memory_space<vmem>>)
    %dma_wait3A_147 = arith.constant 193 : i32
    %dma_wait3A_148 = arith.constant 384 : i32
    %dma_wait3A_149 = arith.constant 0 : i32
    %dma_wait3A_150 = tpu.memref_slice %arg6[%dma_wait3A_148, %dma_wait3A_149] : memref<1280x64xf32, #tpu.memory_space<vmem>> -> memref<128x64xf32, #tpu.memory_space<vmem>>
    %dma_wait3A_151 = arith.constant 0 : i32
    %dma_wait3A_152 = tpu.memref_slice %arg5[%dma_wait3A_147, %dma_wait3A_151] : memref<200x128xi32, #tpu.memory_space<vmem>> -> memref<1x128xi32, #tpu.memory_space<vmem>>
    %dma_wait3A_153 = tpu.memref_squeeze %dma_wait3A_152 : memref<1x128xi32, #tpu.memory_space<vmem>> -> memref<128xi32, #tpu.memory_space<vmem>>
    %dma_wait3A_154 = arith.constant 0 : i32
    %dma_wait3A_155 = arith.constant 0 : i32
    %dma_wait3A_156 = tpu.memref_slice %arg3[%dma_wait3A_154, %dma_wait3A_155] : memref<100000x64xf32, #tpu.memory_space<hbm>> -> memref<100000x64xf32, #tpu.memory_space<hbm>>
    tpu.wait_indirect_dma semaphore(%arg10 : memref<!tpu.dma_semaphore, #tpu.memory_space<semaphore_mem>>) src(%dma_wait3A_156 : memref<100000x64xf32, #tpu.memory_space<hbm>>) dst(%dma_wait3A_150 : memref<128x64xf32, #tpu.memory_space<vmem>>)
    %add3A_157 = arith.constant 24576 : i32
    %add3A_158 = arith.addi %mul3A_2, %add3A_157 : i32
    %dma_start3A_159 = arith.constant 256 : i32
    %dma_start3A_160 = arith.constant 0 : i32
    %dma_start3A_161 = tpu.memref_slice %arg6[%dma_start3A_159, %dma_start3A_160] : memref<1280x64xf32, #tpu.memory_space<vmem>> -> memref<256x64xf32, #tpu.memory_space<vmem>>
    %dma_start3A_162 = arith.constant 0 : i32
    %dma_start3A_163 = tpu.memref_slice %arg4[%add3A_158, %dma_start3A_162] : memref<819200x64xf32, #tpu.memory_space<hbm>> -> memref<256x64xf32, #tpu.memory_space<hbm>>
    %dma_start3A_164 = arith.constant 0 : i32
    %dma_start3A_165 = tpu.memref_slice %arg4[%add3A_158, %dma_start3A_164] : memref<819200x64xf32, #tpu.memory_space<hbm>> -> memref<256x64xf32, #tpu.memory_space<hbm>>
    %dma_start3A_166 = arith.constant 256 : i32
    %dma_start3A_167 = arith.constant 0 : i32
    %dma_start3A_168 = tpu.memref_slice %arg6[%dma_start3A_166, %dma_start3A_167] : memref<1280x64xf32, #tpu.memory_space<vmem>> -> memref<256x64xf32, #tpu.memory_space<vmem>>
    tpu.enqueue_dma source(%dma_start3A_168 : memref<256x64xf32, #tpu.memory_space<vmem>>) target(%dma_start3A_165 : memref<256x64xf32, #tpu.memory_space<hbm>>) target_semaphore(%arg18 : memref<!tpu.dma_semaphore, #tpu.memory_space<semaphore_mem>>)
    %dma_wait3A_169 = arith.constant 194 : i32
    %dma_wait3A_170 = arith.constant 512 : i32
    %dma_wait3A_171 = arith.constant 0 : i32
    %dma_wait3A_172 = tpu.memref_slice %arg6[%dma_wait3A_170, %dma_wait3A_171] : memref<1280x64xf32, #tpu.memory_space<vmem>> -> memref<128x64xf32, #tpu.memory_space<vmem>>
    %dma_wait3A_173 = arith.constant 0 : i32
    %dma_wait3A_174 = tpu.memref_slice %arg5[%dma_wait3A_169, %dma_wait3A_173] : memref<200x128xi32, #tpu.memory_space<vmem>> -> memref<1x128xi32, #tpu.memory_space<vmem>>
    %dma_wait3A_175 = tpu.memref_squeeze %dma_wait3A_174 : memref<1x128xi32, #tpu.memory_space<vmem>> -> memref<128xi32, #tpu.memory_space<vmem>>
    %dma_wait3A_176 = arith.constant 0 : i32
    %dma_wait3A_177 = arith.constant 0 : i32
    %dma_wait3A_178 = tpu.memref_slice %arg3[%dma_wait3A_176, %dma_wait3A_177] : memref<100000x64xf32, #tpu.memory_space<hbm>> -> memref<100000x64xf32, #tpu.memory_space<hbm>>
    tpu.wait_indirect_dma semaphore(%arg11 : memref<!tpu.dma_semaphore, #tpu.memory_space<semaphore_mem>>) src(%dma_wait3A_178 : memref<100000x64xf32, #tpu.memory_space<hbm>>) dst(%dma_wait3A_172 : memref<128x64xf32, #tpu.memory_space<vmem>>)
    %dma_wait3A_179 = arith.constant 195 : i32
    %dma_wait3A_180 = arith.constant 640 : i32
    %dma_wait3A_181 = arith.constant 0 : i32
    %dma_wait3A_182 = tpu.memref_slice %arg6[%dma_wait3A_180, %dma_wait3A_181] : memref<1280x64xf32, #tpu.memory_space<vmem>> -> memref<128x64xf32, #tpu.memory_space<vmem>>
    %dma_wait3A_183 = arith.constant 0 : i32
    %dma_wait3A_184 = tpu.memref_slice %arg5[%dma_wait3A_179, %dma_wait3A_183] : memref<200x128xi32, #tpu.memory_space<vmem>> -> memref<1x128xi32, #tpu.memory_space<vmem>>
    %dma_wait3A_185 = tpu.memref_squeeze %dma_wait3A_184 : memref<1x128xi32, #tpu.memory_space<vmem>> -> memref<128xi32, #tpu.memory_space<vmem>>
    %dma_wait3A_186 = arith.constant 0 : i32
    %dma_wait3A_187 = arith.constant 0 : i32
    %dma_wait3A_188 = tpu.memref_slice %arg3[%dma_wait3A_186, %dma_wait3A_187] : memref<100000x64xf32, #tpu.memory_space<hbm>> -> memref<100000x64xf32, #tpu.memory_space<hbm>>
    tpu.wait_indirect_dma semaphore(%arg12 : memref<!tpu.dma_semaphore, #tpu.memory_space<semaphore_mem>>) src(%dma_wait3A_188 : memref<100000x64xf32, #tpu.memory_space<hbm>>) dst(%dma_wait3A_182 : memref<128x64xf32, #tpu.memory_space<vmem>>)
    %add3A_189 = arith.constant 24832 : i32
    %add3A_190 = arith.addi %mul3A_2, %add3A_189 : i32
    %dma_start3A_191 = arith.constant 512 : i32
    %dma_start3A_192 = arith.constant 0 : i32
    %dma_start3A_193 = tpu.memref_slice %arg6[%dma_start3A_191, %dma_start3A_192] : memref<1280x64xf32, #tpu.memory_space<vmem>> -> memref<256x64xf32, #tpu.memory_space<vmem>>
    %dma_start3A_194 = arith.constant 0 : i32
    %dma_start3A_195 = tpu.memref_slice %arg4[%add3A_190, %dma_start3A_194] : memref<819200x64xf32, #tpu.memory_space<hbm>> -> memref<256x64xf32, #tpu.memory_space<hbm>>
    %dma_start3A_196 = arith.constant 0 : i32
    %dma_start3A_197 = tpu.memref_slice %arg4[%add3A_190, %dma_start3A_196] : memref<819200x64xf32, #tpu.memory_space<hbm>> -> memref<256x64xf32, #tpu.memory_space<hbm>>
    %dma_start3A_198 = arith.constant 512 : i32
    %dma_start3A_199 = arith.constant 0 : i32
    %dma_start3A_200 = tpu.memref_slice %arg6[%dma_start3A_198, %dma_start3A_199] : memref<1280x64xf32, #tpu.memory_space<vmem>> -> memref<256x64xf32, #tpu.memory_space<vmem>>
    tpu.enqueue_dma source(%dma_start3A_200 : memref<256x64xf32, #tpu.memory_space<vmem>>) target(%dma_start3A_197 : memref<256x64xf32, #tpu.memory_space<hbm>>) target_semaphore(%arg19 : memref<!tpu.dma_semaphore, #tpu.memory_space<semaphore_mem>>)
    %dma_wait3A_201 = arith.constant 196 : i32
    %dma_wait3A_202 = arith.constant 768 : i32
    %dma_wait3A_203 = arith.constant 0 : i32
    %dma_wait3A_204 = tpu.memref_slice %arg6[%dma_wait3A_202, %dma_wait3A_203] : memref<1280x64xf32, #tpu.memory_space<vmem>> -> memref<128x64xf32, #tpu.memory_space<vmem>>
    %dma_wait3A_205 = arith.constant 0 : i32
    %dma_wait3A_206 = tpu.memref_slice %arg5[%dma_wait3A_201, %dma_wait3A_205] : memref<200x128xi32, #tpu.memory_space<vmem>> -> memref<1x128xi32, #tpu.memory_space<vmem>>
    %dma_wait3A_207 = tpu.memref_squeeze %dma_wait3A_206 : memref<1x128xi32, #tpu.memory_space<vmem>> -> memref<128xi32, #tpu.memory_space<vmem>>
    %dma_wait3A_208 = arith.constant 0 : i32
    %dma_wait3A_209 = arith.constant 0 : i32
    %dma_wait3A_210 = tpu.memref_slice %arg3[%dma_wait3A_208, %dma_wait3A_209] : memref<100000x64xf32, #tpu.memory_space<hbm>> -> memref<100000x64xf32, #tpu.memory_space<hbm>>
    tpu.wait_indirect_dma semaphore(%arg13 : memref<!tpu.dma_semaphore, #tpu.memory_space<semaphore_mem>>) src(%dma_wait3A_210 : memref<100000x64xf32, #tpu.memory_space<hbm>>) dst(%dma_wait3A_204 : memref<128x64xf32, #tpu.memory_space<vmem>>)
    %dma_wait3A_211 = arith.constant 197 : i32
    %dma_wait3A_212 = arith.constant 896 : i32
    %dma_wait3A_213 = arith.constant 0 : i32
    %dma_wait3A_214 = tpu.memref_slice %arg6[%dma_wait3A_212, %dma_wait3A_213] : memref<1280x64xf32, #tpu.memory_space<vmem>> -> memref<128x64xf32, #tpu.memory_space<vmem>>
    %dma_wait3A_215 = arith.constant 0 : i32
    %dma_wait3A_216 = tpu.memref_slice %arg5[%dma_wait3A_211, %dma_wait3A_215] : memref<200x128xi32, #tpu.memory_space<vmem>> -> memref<1x128xi32, #tpu.memory_space<vmem>>
    %dma_wait3A_217 = tpu.memref_squeeze %dma_wait3A_216 : memref<1x128xi32, #tpu.memory_space<vmem>> -> memref<128xi32, #tpu.memory_space<vmem>>
    %dma_wait3A_218 = arith.constant 0 : i32
    %dma_wait3A_219 = arith.constant 0 : i32
    %dma_wait3A_220 = tpu.memref_slice %arg3[%dma_wait3A_218, %dma_wait3A_219] : memref<100000x64xf32, #tpu.memory_space<hbm>> -> memref<100000x64xf32, #tpu.memory_space<hbm>>
    tpu.wait_indirect_dma semaphore(%arg14 : memref<!tpu.dma_semaphore, #tpu.memory_space<semaphore_mem>>) src(%dma_wait3A_220 : memref<100000x64xf32, #tpu.memory_space<hbm>>) dst(%dma_wait3A_214 : memref<128x64xf32, #tpu.memory_space<vmem>>)
    %add3A_221 = arith.constant 25088 : i32
    %add3A_222 = arith.addi %mul3A_2, %add3A_221 : i32
    %dma_start3A_223 = arith.constant 768 : i32
    %dma_start3A_224 = arith.constant 0 : i32
    %dma_start3A_225 = tpu.memref_slice %arg6[%dma_start3A_223, %dma_start3A_224] : memref<1280x64xf32, #tpu.memory_space<vmem>> -> memref<256x64xf32, #tpu.memory_space<vmem>>
    %dma_start3A_226 = arith.constant 0 : i32
    %dma_start3A_227 = tpu.memref_slice %arg4[%add3A_222, %dma_start3A_226] : memref<819200x64xf32, #tpu.memory_space<hbm>> -> memref<256x64xf32, #tpu.memory_space<hbm>>
    %dma_start3A_228 = arith.constant 0 : i32
    %dma_start3A_229 = tpu.memref_slice %arg4[%add3A_222, %dma_start3A_228] : memref<819200x64xf32, #tpu.memory_space<hbm>> -> memref<256x64xf32, #tpu.memory_space<hbm>>
    %dma_start3A_230 = arith.constant 768 : i32
    %dma_start3A_231 = arith.constant 0 : i32
    %dma_start3A_232 = tpu.memref_slice %arg6[%dma_start3A_230, %dma_start3A_231] : memref<1280x64xf32, #tpu.memory_space<vmem>> -> memref<256x64xf32, #tpu.memory_space<vmem>>
    tpu.enqueue_dma source(%dma_start3A_232 : memref<256x64xf32, #tpu.memory_space<vmem>>) target(%dma_start3A_229 : memref<256x64xf32, #tpu.memory_space<hbm>>) target_semaphore(%arg20 : memref<!tpu.dma_semaphore, #tpu.memory_space<semaphore_mem>>)
    %dma_wait3A_233 = arith.constant 198 : i32
    %dma_wait3A_234 = arith.constant 1024 : i32
    %dma_wait3A_235 = arith.constant 0 : i32
    %dma_wait3A_236 = tpu.memref_slice %arg6[%dma_wait3A_234, %dma_wait3A_235] : memref<1280x64xf32, #tpu.memory_space<vmem>> -> memref<128x64xf32, #tpu.memory_space<vmem>>
    %dma_wait3A_237 = arith.constant 0 : i32
    %dma_wait3A_238 = tpu.memref_slice %arg5[%dma_wait3A_233, %dma_wait3A_237] : memref<200x128xi32, #tpu.memory_space<vmem>> -> memref<1x128xi32, #tpu.memory_space<vmem>>
    %dma_wait3A_239 = tpu.memref_squeeze %dma_wait3A_238 : memref<1x128xi32, #tpu.memory_space<vmem>> -> memref<128xi32, #tpu.memory_space<vmem>>
    %dma_wait3A_240 = arith.constant 0 : i32
    %dma_wait3A_241 = arith.constant 0 : i32
    %dma_wait3A_242 = tpu.memref_slice %arg3[%dma_wait3A_240, %dma_wait3A_241] : memref<100000x64xf32, #tpu.memory_space<hbm>> -> memref<100000x64xf32, #tpu.memory_space<hbm>>
    tpu.wait_indirect_dma semaphore(%arg15 : memref<!tpu.dma_semaphore, #tpu.memory_space<semaphore_mem>>) src(%dma_wait3A_242 : memref<100000x64xf32, #tpu.memory_space<hbm>>) dst(%dma_wait3A_236 : memref<128x64xf32, #tpu.memory_space<vmem>>)
    %dma_wait3A_243 = arith.constant 199 : i32
    %dma_wait3A_244 = arith.constant 1152 : i32
    %dma_wait3A_245 = arith.constant 0 : i32
    %dma_wait3A_246 = tpu.memref_slice %arg6[%dma_wait3A_244, %dma_wait3A_245] : memref<1280x64xf32, #tpu.memory_space<vmem>> -> memref<128x64xf32, #tpu.memory_space<vmem>>
    %dma_wait3A_247 = arith.constant 0 : i32
    %dma_wait3A_248 = tpu.memref_slice %arg5[%dma_wait3A_243, %dma_wait3A_247] : memref<200x128xi32, #tpu.memory_space<vmem>> -> memref<1x128xi32, #tpu.memory_space<vmem>>
    %dma_wait3A_249 = tpu.memref_squeeze %dma_wait3A_248 : memref<1x128xi32, #tpu.memory_space<vmem>> -> memref<128xi32, #tpu.memory_space<vmem>>
    %dma_wait3A_250 = arith.constant 0 : i32
    %dma_wait3A_251 = arith.constant 0 : i32
    %dma_wait3A_252 = tpu.memref_slice %arg3[%dma_wait3A_250, %dma_wait3A_251] : memref<100000x64xf32, #tpu.memory_space<hbm>> -> memref<100000x64xf32, #tpu.memory_space<hbm>>
    tpu.wait_indirect_dma semaphore(%arg16 : memref<!tpu.dma_semaphore, #tpu.memory_space<semaphore_mem>>) src(%dma_wait3A_252 : memref<100000x64xf32, #tpu.memory_space<hbm>>) dst(%dma_wait3A_246 : memref<128x64xf32, #tpu.memory_space<vmem>>)
    %add3A_253 = arith.constant 25344 : i32
    %add3A_254 = arith.addi %mul3A_2, %add3A_253 : i32
    %dma_start3A_255 = arith.constant 1024 : i32
    %dma_start3A_256 = arith.constant 0 : i32
    %dma_start3A_257 = tpu.memref_slice %arg6[%dma_start3A_255, %dma_start3A_256] : memref<1280x64xf32, #tpu.memory_space<vmem>> -> memref<256x64xf32, #tpu.memory_space<vmem>>
    %dma_start3A_258 = arith.constant 0 : i32
    %dma_start3A_259 = tpu.memref_slice %arg4[%add3A_254, %dma_start3A_258] : memref<819200x64xf32, #tpu.memory_space<hbm>> -> memref<256x64xf32, #tpu.memory_space<hbm>>
    %dma_start3A_260 = arith.constant 0 : i32
    %dma_start3A_261 = tpu.memref_slice %arg4[%add3A_254, %dma_start3A_260] : memref<819200x64xf32, #tpu.memory_space<hbm>> -> memref<256x64xf32, #tpu.memory_space<hbm>>
    %dma_start3A_262 = arith.constant 1024 : i32
    %dma_start3A_263 = arith.constant 0 : i32
    %dma_start3A_264 = tpu.memref_slice %arg6[%dma_start3A_262, %dma_start3A_263] : memref<1280x64xf32, #tpu.memory_space<vmem>> -> memref<256x64xf32, #tpu.memory_space<vmem>>
    tpu.enqueue_dma source(%dma_start3A_264 : memref<256x64xf32, #tpu.memory_space<vmem>>) target(%dma_start3A_261 : memref<256x64xf32, #tpu.memory_space<hbm>>) target_semaphore(%arg21 : memref<!tpu.dma_semaphore, #tpu.memory_space<semaphore_mem>>)
    %add3A_265 = arith.constant 24320 : i32
    %add3A_266 = arith.addi %mul3A_2, %add3A_265 : i32
    %dma_wait3A_267 = arith.constant 0 : i32
    %dma_wait3A_268 = arith.constant 0 : i32
    %dma_wait3A_269 = tpu.memref_slice %arg6[%dma_wait3A_267, %dma_wait3A_268] : memref<1280x64xf32, #tpu.memory_space<vmem>> -> memref<256x64xf32, #tpu.memory_space<vmem>>
    %dma_wait3A_270 = arith.constant 0 : i32
    %dma_wait3A_271 = tpu.memref_slice %arg4[%add3A_266, %dma_wait3A_270] : memref<819200x64xf32, #tpu.memory_space<hbm>> -> memref<256x64xf32, #tpu.memory_space<hbm>>
    %dma_wait3A_272 = arith.constant 0 : i32
    %dma_wait3A_273 = tpu.memref_slice %arg4[%add3A_266, %dma_wait3A_272] : memref<819200x64xf32, #tpu.memory_space<hbm>> -> memref<256x64xf32, #tpu.memory_space<hbm>>
    %dma_wait3A_274 = arith.constant 0 : i32
    %dma_wait3A_275 = arith.constant 0 : i32
    %dma_wait3A_276 = tpu.memref_slice %arg6[%dma_wait3A_274, %dma_wait3A_275] : memref<1280x64xf32, #tpu.memory_space<vmem>> -> memref<256x64xf32, #tpu.memory_space<vmem>>
    tpu.wait_dma2 semaphore(%arg17 : memref<!tpu.dma_semaphore, #tpu.memory_space<semaphore_mem>>) src(%dma_wait3A_276 : memref<256x64xf32, #tpu.memory_space<vmem>>) dst(%dma_wait3A_273 : memref<256x64xf32, #tpu.memory_space<hbm>>)
    %add3A_277 = arith.constant 24576 : i32
    %add3A_278 = arith.addi %mul3A_2, %add3A_277 : i32
    %dma_wait3A_279 = arith.constant 256 : i32
    %dma_wait3A_280 = arith.constant 0 : i32
    %dma_wait3A_281 = tpu.memref_slice %arg6[%dma_wait3A_279, %dma_wait3A_280] : memref<1280x64xf32, #tpu.memory_space<vmem>> -> memref<256x64xf32, #tpu.memory_space<vmem>>
    %dma_wait3A_282 = arith.constant 0 : i32
    %dma_wait3A_283 = tpu.memref_slice %arg4[%add3A_278, %dma_wait3A_282] : memref<819200x64xf32, #tpu.memory_space<hbm>> -> memref<256x64xf32, #tpu.memory_space<hbm>>
    %dma_wait3A_284 = arith.constant 0 : i32
    %dma_wait3A_285 = tpu.memref_slice %arg4[%add3A_278, %dma_wait3A_284] : memref<819200x64xf32, #tpu.memory_space<hbm>> -> memref<256x64xf32, #tpu.memory_space<hbm>>
    %dma_wait3A_286 = arith.constant 256 : i32
    %dma_wait3A_287 = arith.constant 0 : i32
    %dma_wait3A_288 = tpu.memref_slice %arg6[%dma_wait3A_286, %dma_wait3A_287] : memref<1280x64xf32, #tpu.memory_space<vmem>> -> memref<256x64xf32, #tpu.memory_space<vmem>>
    tpu.wait_dma2 semaphore(%arg18 : memref<!tpu.dma_semaphore, #tpu.memory_space<semaphore_mem>>) src(%dma_wait3A_288 : memref<256x64xf32, #tpu.memory_space<vmem>>) dst(%dma_wait3A_285 : memref<256x64xf32, #tpu.memory_space<hbm>>)
    %add3A_289 = arith.constant 24832 : i32
    %add3A_290 = arith.addi %mul3A_2, %add3A_289 : i32
    %dma_wait3A_291 = arith.constant 512 : i32
    %dma_wait3A_292 = arith.constant 0 : i32
    %dma_wait3A_293 = tpu.memref_slice %arg6[%dma_wait3A_291, %dma_wait3A_292] : memref<1280x64xf32, #tpu.memory_space<vmem>> -> memref<256x64xf32, #tpu.memory_space<vmem>>
    %dma_wait3A_294 = arith.constant 0 : i32
    %dma_wait3A_295 = tpu.memref_slice %arg4[%add3A_290, %dma_wait3A_294] : memref<819200x64xf32, #tpu.memory_space<hbm>> -> memref<256x64xf32, #tpu.memory_space<hbm>>
    %dma_wait3A_296 = arith.constant 0 : i32
    %dma_wait3A_297 = tpu.memref_slice %arg4[%add3A_290, %dma_wait3A_296] : memref<819200x64xf32, #tpu.memory_space<hbm>> -> memref<256x64xf32, #tpu.memory_space<hbm>>
    %dma_wait3A_298 = arith.constant 512 : i32
    %dma_wait3A_299 = arith.constant 0 : i32
    %dma_wait3A_300 = tpu.memref_slice %arg6[%dma_wait3A_298, %dma_wait3A_299] : memref<1280x64xf32, #tpu.memory_space<vmem>> -> memref<256x64xf32, #tpu.memory_space<vmem>>
    tpu.wait_dma2 semaphore(%arg19 : memref<!tpu.dma_semaphore, #tpu.memory_space<semaphore_mem>>) src(%dma_wait3A_300 : memref<256x64xf32, #tpu.memory_space<vmem>>) dst(%dma_wait3A_297 : memref<256x64xf32, #tpu.memory_space<hbm>>)
    %add3A_301 = arith.constant 25088 : i32
    %add3A_302 = arith.addi %mul3A_2, %add3A_301 : i32
    %dma_wait3A_303 = arith.constant 768 : i32
    %dma_wait3A_304 = arith.constant 0 : i32
    %dma_wait3A_305 = tpu.memref_slice %arg6[%dma_wait3A_303, %dma_wait3A_304] : memref<1280x64xf32, #tpu.memory_space<vmem>> -> memref<256x64xf32, #tpu.memory_space<vmem>>
    %dma_wait3A_306 = arith.constant 0 : i32
    %dma_wait3A_307 = tpu.memref_slice %arg4[%add3A_302, %dma_wait3A_306] : memref<819200x64xf32, #tpu.memory_space<hbm>> -> memref<256x64xf32, #tpu.memory_space<hbm>>
    %dma_wait3A_308 = arith.constant 0 : i32
    %dma_wait3A_309 = tpu.memref_slice %arg4[%add3A_302, %dma_wait3A_308] : memref<819200x64xf32, #tpu.memory_space<hbm>> -> memref<256x64xf32, #tpu.memory_space<hbm>>
    %dma_wait3A_310 = arith.constant 768 : i32
    %dma_wait3A_311 = arith.constant 0 : i32
    %dma_wait3A_312 = tpu.memref_slice %arg6[%dma_wait3A_310, %dma_wait3A_311] : memref<1280x64xf32, #tpu.memory_space<vmem>> -> memref<256x64xf32, #tpu.memory_space<vmem>>
    tpu.wait_dma2 semaphore(%arg20 : memref<!tpu.dma_semaphore, #tpu.memory_space<semaphore_mem>>) src(%dma_wait3A_312 : memref<256x64xf32, #tpu.memory_space<vmem>>) dst(%dma_wait3A_309 : memref<256x64xf32, #tpu.memory_space<hbm>>)
    %add3A_313 = arith.constant 25344 : i32
    %add3A_314 = arith.addi %mul3A_2, %add3A_313 : i32
    %dma_wait3A_315 = arith.constant 1024 : i32
    %dma_wait3A_316 = arith.constant 0 : i32
    %dma_wait3A_317 = tpu.memref_slice %arg6[%dma_wait3A_315, %dma_wait3A_316] : memref<1280x64xf32, #tpu.memory_space<vmem>> -> memref<256x64xf32, #tpu.memory_space<vmem>>
    %dma_wait3A_318 = arith.constant 0 : i32
    %dma_wait3A_319 = tpu.memref_slice %arg4[%add3A_314, %dma_wait3A_318] : memref<819200x64xf32, #tpu.memory_space<hbm>> -> memref<256x64xf32, #tpu.memory_space<hbm>>
    %dma_wait3A_320 = arith.constant 0 : i32
    %dma_wait3A_321 = tpu.memref_slice %arg4[%add3A_314, %dma_wait3A_320] : memref<819200x64xf32, #tpu.memory_space<hbm>> -> memref<256x64xf32, #tpu.memory_space<hbm>>
    %dma_wait3A_322 = arith.constant 1024 : i32
    %dma_wait3A_323 = arith.constant 0 : i32
    %dma_wait3A_324 = tpu.memref_slice %arg6[%dma_wait3A_322, %dma_wait3A_323] : memref<1280x64xf32, #tpu.memory_space<vmem>> -> memref<256x64xf32, #tpu.memory_space<vmem>>
    tpu.wait_dma2 semaphore(%arg21 : memref<!tpu.dma_semaphore, #tpu.memory_space<semaphore_mem>>) src(%dma_wait3A_324 : memref<256x64xf32, #tpu.memory_space<vmem>>) dst(%dma_wait3A_321 : memref<256x64xf32, #tpu.memory_space<hbm>>)
    return
  }
}

</mosaic_0001>

<sc_bundles>
// kernel: kernel.3.cloned.1.call-start
scs
__scs_entry_jumppad:
0x0: {  	(pc) =	sbr.rel $0x88, $3  }
0x1: {  	(tag) =	ssettag $0x0;
	lr =	simm.s32 $0x1  }
0x2: {  	[smem:$0x3F9F] =	sst lr;
	_ =	strace $0xD0000000  }
0x3: {  	_ = 	snop  }
0x4: {  	_ = 	snop  }
0x5: {  	_ = 	snop  }
0x6: {  	_ = 	snop  }
0x7: {  	_ = 	snop  }
__scs_overlays_trampoline_lowered:
0x8: {  	[smem:$0x3FAE] =	sst s0  }
0x9: {  	[smem:$0x3FAF] =	sst s1  }
0xa: {  	[smem:$0x3FB0] =	sst s2  }
0xb: {  	[smem:$0x3FB1] =	sst s3  }
0xc: {  	[smem:$0x3FB2] =	sst s4  }
0xd: {  	[smem:$0x3FB3] =	sst s5  }
0xe: {  	[smem:$0x3FB4] =	sst s6  }
0xf: {  	[smem:$0x3FB5] =	sst s7  }
0x10: {  	[smem:$0x3FB6] =	sst s8  }
0x11: {  	[smem:$0x3FB7] =	sst s9;
	s0 =	simm.s32 @!p0 $0x0  }
0x12: {  	s1 =	sld [smem:$0x3F9D];
	s0 =	simm.s32 @p0 $0x1  }
0x13: {  	[smem:$0x3FB8] =	sst s0;
	s0 =	simm.s32 @!p1 $0x0  }
0x14: {  	s2 =	sld [smem:$0x3F9C];
	s0 =	simm.s32 @p1 $0x1  }
0x15: {  	[smem:$0x3FB9] =	sst s0;
	s0 =	simm.s32 @!p2 $0x0  }
0x16: {  	s3 =	sld [smem:$0x3FDB];
	s0 =	simm.s32 @p2 $0x1  }
0x17: {  	s4 =	simm.s32 $0x1BF5;
	[smem:$0x3FBB] =	sst s0  }
0x18: {  	s0 =	sld [smem:$0x3F9E];
	_ =	swait.ge [sflag:s4], $0x0  }
0x19: {  	s7 =	sld [smem:$0x3F9F]  }
0x1a: {  	s8 =	sadd.s32 $0xFFFFE003, lr  }
0x1b: {  	s9 =	sadd.s32 $0xFFFFFEF7, lr;
	s5 =	simm.s32 $0xFFFFFFFF;
	p2 =	slt.u32 s8, $0xFFFFF086  }
0x1c: {  	p1 =	slt.u32 s9, $0xF7A;
	s5 =	simm.s32 @!p2 $0x0  }
0x1d: {  	s5 =	simm.s32 @p1 $0x1;
	p0 =	seq.s32 s7, s2  }
0x1e: {  	s7 =	smul.u32 @!p0 $0xF7A, s2;
	p2 =	seq.s32 @!p0 s5, $0x0  }
0x1f: {  	s9 =	smul.u32 $0xF7A, s1;
	s8 =	simm.s32 @!p0 $0x1BF5;
	p2 =	por !p2, p0  }
0x20: {  	[sflag:s8] =	ssyncset.s32 @!p0 $0xFFFFF086;
	s6 =	sadd.s32 @!p0 s3, s7;
	s7 =	simm.s32 @!p0 $0x108  }
0x21: {  	s3 =	sadd.s32 s3, s9;
	s6 =	sadd.s32 @!p0 $0x88, s6;
	s7 =	simm.s32 @p2 $0x1082  }
0x22: {  	[simem:s7], [sflag:s8] =	dma.local @!p0 [hbm:s6], $0xF7A  }
0x23: {  	s9 =	sor.u32 $0xD0000000, s2;
	s6 =	simm.s32 $0x108;
	_ =	swait.ge @!p0 [sflag:s8], $0x0  }
0x24: {  	s3 =	sadd.s32 $0x88, s3;
	s6 =	simm.s32 @!p1 $0x1082;
	[sflag:s4] =	ssyncset.s32 $0xFFFFF086  }
0x25: {  	[simem:s6], [sflag:s4] =	dma.local [hbm:s3], $0xF7A  }
0x26: {  	[smem:$0x3F9F] =	sst s1;
	(tag) =	ssettag s2;
	_ =	strace s9  }
0x27: {  	s1 =	sld [smem:$0x3FAF]  }
0x28: {  	s2 =	sld [smem:$0x3FB0]  }
0x29: {  	s4 =	sld [smem:$0x3FB2]  }
0x2a: {  	p0 =	seq.s32 s5, $0x0;
	s5 =	sld [smem:$0x3FB3]  }
0x2b: {  	s6 =	sld [smem:$0x3FB4]  }
0x2c: {  	s7 =	sld [smem:$0x3FB5]  }
0x2d: {  	s3 =	simm.s32 $0x108;
	s8 =	sld [smem:$0x3FB6]  }
0x2e: {  	s3 =	simm.s32 @!p0 $0x1082;
	s9 =	sld [smem:$0x3FB7]  }
0x2f: {  	lr =	sadd.s32 s0, s3;
	s0 =	sld [smem:$0x3FAE]  }
0x30: {  	s3 =	sld [smem:$0x3FB1]  }
0x31: {  	[smem:$0x3FBA] =	sst s10  }
0x32: {  	s10 =	sld [smem:$0x3FB8];
	_ =	sdelay $0x3  }
0x33: {  	p0 =	seq.s32 s10, $0x1;
	s10 =	sld [smem:$0x3FBA];
	_ =	sdelay $0x3  }
0x34: {  	[smem:$0x3FBA] =	sst s10  }
0x35: {  	s10 =	sld [smem:$0x3FB9];
	_ =	sdelay $0x3  }
0x36: {  	p1 =	seq.s32 s10, $0x1;
	s10 =	sld [smem:$0x3FBA];
	_ =	sdelay $0x3  }
0x37: {  	[smem:$0x3FBA] =	sst s10  }
0x38: {  	s10 =	sld [smem:$0x3FBB]  }
0x39: {  	_ = 	snop;
	(pc) =	sbr.ind lr, $3  }
0x3a: {  	_ = 	snop  }
0x3b: {  	_ = 	snop  }
0x3c: {  	p2 =	seq.s32 s10, $0x1;
	s10 =	sld [smem:$0x3FBA]  }
0x3d: {  	_ =	shalt  }
0x3e: {  	_ =	shalt  }
0x3f: {  	_ =	shalt  }
0x40: {  	_ =	shalt  }
0x41: {  	_ =	shalt  }
0x42: {  	_ =	shalt  }
0x43: {  	_ =	shalt  }
0x44: {  	_ =	shalt  }
0x45: {  	_ =	shalt  }
0x46: {  	_ =	shalt  }
0x47: {  	_ =	shalt  }
0x48: {  	_ =	shalt  }
0x49: {  	_ =	shalt  }
0x4a: {  	_ =	shalt  }
0x4b: {  	_ =	shalt  }
0x4c: {  	_ =	shalt  }
0x4d: {  	_ =	shalt  }
0x4e: {  	_ =	shalt  }
0x4f: {  	_ =	shalt  }
0x50: {  	_ =	shalt  }
0x51: {  	_ =	shalt  }
0x52: {  	_ =	shalt  }
0x53: {  	_ =	shalt  }
0x54: {  	_ =	shalt  }
0x55: {  	_ =	shalt  }
0x56: {  	_ =	shalt  }
0x57: {  	_ =	shalt  }
0x58: {  	_ =	shalt  }
0x59: {  	_ =	shalt  }
0x5a: {  	_ =	shalt  }
0x5b: {  	_ =	shalt  }
0x5c: {  	_ =	shalt  }
0x5d: {  	_ =	shalt  }
0x5e: {  	_ =	shalt  }
0x5f: {  	_ =	shalt  }
0x60: {  	_ =	shalt  }
0x61: {  	_ =	shalt  }
0x62: {  	_ =	shalt  }
0x63: {  	_ =	shalt  }
0x64: {  	_ =	shalt  }
0x65: {  	_ =	shalt  }
0x66: {  	_ =	shalt  }
0x67: {  	_ =	shalt  }
0x68: {  	_ =	shalt  }
0x69: {  	_ =	shalt  }
0x6a: {  	_ =	shalt  }
0x6b: {  	_ =	shalt  }
0x6c: {  	_ =	shalt  }
0x6d: {  	_ =	shalt  }
0x6e: {  	_ =	shalt  }
0x6f: {  	_ =	shalt  }
0x70: {  	_ =	shalt  }
0x71: {  	_ =	shalt  }
0x72: {  	_ =	shalt  }
0x73: {  	_ =	shalt  }
0x74: {  	_ =	shalt  }
0x75: {  	_ =	shalt  }
0x76: {  	_ =	shalt  }
0x77: {  	_ =	shalt  }
0x78: {  	_ =	shalt  }
0x79: {  	_ =	shalt  }
0x7a: {  	_ =	shalt  }
0x7b: {  	_ =	shalt  }
0x7c: {  	_ =	shalt  }
0x7d: {  	_ =	shalt  }
0x7e: {  	_ =	shalt  }
0x7f: {  	_ =	shalt  }
0x80: {  	_ =	shalt  }
0x81: {  	_ =	shalt  }
0x82: {  	_ =	shalt  }
0x83: {  	_ =	shalt  }
0x84: {  	_ =	shalt  }
0x85: {  	_ =	shalt  }
0x86: {  	_ =	shalt  }
0x87: {  	_ =	shalt  }
.Lfunc_end0:
.L_simem_size_0:
called_computation.1_lowered:
.L_overlay_start_0:
0x88: {  	s2 =	sld [smem:$0x3FD9]  }
0x89: {  	s3 =	sld [smem:$0x3FFE];
	_ =	sdelay $0x1  }
0x8a: {  	s1 =	srdreg.scid  }
0x8b: {  	s0 =	sand.u32 $0x1, s1  }
0x8c: {  	s17 =	sshll.u32 s0, $0xA;
	s2 =	sadd.s32 s3, s2  }
0x8d: {  	s2 =	sadd.s32 s2, s17  }
0x8e: {  	[smem:$0x3FC6] =	sst s2  }
0x8f: {  	_ = 	snop  }
0x90: {  	s2 =	sld [smem:$0x3FD0];
	(tm) =	ssettm $0x1  }
0x91: {  	s18 =	sld [smem:$0x3FFB];
	_ =	sdelay $0x3  }
0x92: {  	_ =	strace s18  }
0x93: {  	s3 =	sld [smem:$0x3FFC];
	_ =	sdelay $0x3  }
0x94: {  	_ =	strace s3  }
0x95: {  	s3 =	sld [smem:$0x3FFD];
	_ =	sdelay $0x3  }
0x96: {  	_ =	strace s3  }
0x97: {  	_ =	strace $0x8FFFFFFF  }
0x98: {  	s19 =	sld [smem:$0x3FDB];
	_ =	sdelay $0x1  }
0x99: {  	s4 =	simm.s32 $_scs_section_size  }
0x9a: {  	s5 =	simm.s32 $_size__tile_overlayer_lowered;
	s6 =	simm.s32 $_tile_overlayer_lowered  }
0x9b: {  	s22 =	simm.s32 $0x1BFF;
	s21 =	sshll.u32 s6, $0x1;
	s3 =	sadd.s32 s4, s19  }
0x9c: {  	s7 =	simm.s32 $0x0;
	s20 =	sshll.u32 s5, $0x1;
	s5 =	sadd.s32 s21, s3  }
0x9d: {  	[timem:s7], [sflag:s22] =	dma.local [hbm:s5], s20  }
0x9e: {  	_ =	swait.ge [sflag:s22], s20  }
0x9f: {  	s4 =	ssub.s32 $0x0, s20;
	[sflag:s22] =	ssyncset.done $0x0  }
0xa0: {  	[sflag:s22] =	ssyncadd.s32 s4;
	_ =	sdelay $0x1  }
0xa1: {  	s23 =	simm.s32 $0x1B8B  }
0xa2: {  	_ =	swait.ge [sflag:s23], $0x1  }
0xa3: {  	[sflag:s23] =	ssyncset.done $0x0  }
0xa4: {  	s25 =	simm.s32 $0x1B8E;
	s24 =	sld [smem:$0x3FFE];
	[sflag:s23] =	ssyncadd.s32 $0xFFFFFFFF  }
0xa5: {  	s26 =	simm.s32 $execute0_lowered;
	[smem:$0x3FD2] =	sst s25  }
0xa6: {  	s5 =	sshll.u32 s26, $0x1;
	_ =	strace $0x80000046;
	[dreg:$0x1] =	wrdreg $0xFFFFFFFF  }
0xa7: {  	s28 =	simm.s32 $_size_execute0_lowered;
	s3 =	sadd.s32 s3, s5;
	[dreg:$0x0] =	wrdreg $0x0  }
0xa8: {  	s5 =	sshll.u32 s28, $0x1;
	[dreg:$0x2] =	wrdreg s3  }
0xa9: {  	[dreg:$0x3] =	wrdreg s5  }
0xaa: {  	[dreg:$0x4] =	wrdreg $0xC0  }
0xab: {  	_ =	task [dreg:s7], $0x5FFFF  }
0xac: {  	[dreg:$0x1] =	wrdreg $0xFFFFFFFF  }
0xad: {  	[dreg:$0x0] =	wrdreg $0x60  }
0xae: {  	[dreg:$0x2] =	wrdreg s24  }
0xaf: {  	[dreg:$0x3] =	wrdreg s2  }
0xb0: {  	[dreg:$0x4] =	wrdreg $0x9  }
0xb1: {  	_ =	task.clear_ibuf [dreg:s7], $0x5FFFF;
	_ =	strace $0x90000046  }
0xb2: {  	s29 =	simm.s32 $0x9;
	_ =	strace $0x80000048  }
0xb3: {  	_ =	swait.ge [sflag:s29], $0x1  }
0xb4: {  	[sflag:s29] =	ssyncadd.s32 $0xFFFFFFFF  }
0xb5: {  	_ =	strace $0x90000048  }
0xb6: {  	_ =	sfence  }
0xb7: {  	s30 =	sld [smem:$0x0];
	_ =	sdelay $0x2  }
0xb8: {  	s31 =	sshll.u32 s1, $0xD;
	s1 =	sshrl.u32 s1, $0x2  }
0xb9: {  	s3 =	sand.u32 $0x4000, s31;
	s1 =	sadd.s32 s1, s30  }
0xba: {  	s0 =	sor.u32 s3, s0;
	s1 =	sshll.u32 s1, $0x11  }
0xbb: {  	s0 =	sor.u32 s1, s0  }
0xbc: {  	s0 =	sadd.s32 $0x8F2B, s0  }
0xbd: {  	[sflag:s0] =	ssyncadd.remote.s32 $0x1  }
0xbe: {  	_ =	sfence.sel $0xFFFF  }
0xbf: {  	[dreg:$0x0] =	wrdreg $0xFFFFFFFF;
	(pc) =	sbr.abs _section_cstart, $3  }
0xc0: {  	[dreg:$0x1] =	wrdreg $0xFFFFFFFF  }
0xc1: {  	_ =	task.clear_ibuf [dreg:s7], $0x2FFFF;
	_ =	strace $0x9FFFFFFF  }
0xc2: {  	(tm) =	ssettm $0x7FFFFFFF  }
0xc3: {  	_ =	shalt  }
tec
execute0_lowered:
.L_overlay_start_1:
0x0: {  	(tag) =	ssettag $0x1  }
0x1: {  	s0 =	srdreg.scid;
	s1 =	rddreg [dreg:$0x0]  }
0x2: {  	s9 =	stileid.u32;
	s4 =	rddreg [dreg:$0x1];
	s17 =	simm.s32 $0x80  }
0x3: {  	s14 =	simm.s32 $0x8400;
	s15 =	simm.s32 $0xC400;
	s13 =	simm.s32 $0x10400  }
0x4: {  	s31 =	simm.s32 $0x3;
	s10 =	simm.s32 $0xC;
	s8 =	smul.u32 $0xC800, s9  }
0x5: {  	s16 =	simm.s32 $0xD;
	s0 =	sand.u32 $0x1, s0;
	s26 =	smul.u32 $0x64000, s9  }
0x6: {  	s11 =	simm.s32 $0xE;
	s2 =	sshll.u32 s9, $0x1;
	s20 =	smul.u32 $0x6400, s0  }
0x7: {  	s3 =	sor.u32 s0, s2;
	s19 =	ssub.s32 $0x2, s0;
	s0 =	smul.u32 $0x32000, s0  }
0x8: {  	s12 =	simm.s32 $0xF;
	s2 =	simm.s32 $0x0;
	s5 =	smul.u32 $0x6400, s3  }
0x9: {  	s9 =	simm.s32 $0xB;
	[smem:$0x7FF] =	sst s2;
	s6 =	smul.u32 $0x190000, s3  }
0xa: {  	s3 =	sadd.s32 $0x19800, s1;
	s7 =	sshrl.u32 s19, $0x1;
	s5 =	sshrl.u32 s5, $0x3  }
0xb: {  	_ =	strace $0x80000047;
	s6 =	sshrl.u32 s6, $0x3;
	s5 =	sadd.s32 s5, s1  }
0xc: {  	s25 =	sadd.s32 s20, s8;
	s6 =	sadd.s32 s4, s6;
	s5 =	sadd.s32 $0x800, s5  }
0xd: {  	s8 =	simm.s32 $0xA;
	s21 =	sadd.s32 $0x2F800, s6;
	[dreg:$0x3] =	wrdreg s5  }
0xe: {  	s1 =	ssub.s32 s19, s7;
	s22 =	sadd.s32 $0x30000, s6;
	[dreg:$0x4] =	wrdreg s21  }
0xf: {  	s19 =	simm.s32 $0x14400;
	s23 =	sadd.s32 $0x30800, s6;
	[dreg:$0x5] =	wrdreg s22  }
0x10: {  	s7 =	simm.s32 $0x9;
	s24 =	sadd.s32 $0x31000, s6;
	[dreg:$0x6] =	wrdreg s23  }
0x11: {  	s6 =	sadd.s32 $0x31800, s6;
	[dreg:$0x7] =	wrdreg s24;
	s5 =	sshll.u32 s25, $0x3  }
0x12: {  	s1 =	smax.u32 s1, $0x1;
	[dreg:$0x8] =	wrdreg s6;
	s28 =	sadd.s32 s5, s4  }
0x13: {  	[dreg:$0x9] =	wrdreg s1;
	s22 =	simm.s32 $0x5;
	s5 =	sadd.s32 $0x2000, s28  }
0x14: {  	s6 =	simm.s32 $0x8;
	s29 =	sadd.s32 $0x1800, s28;
	[dreg:$0xa] =	wrdreg s5  }
0x15: {  	s23 =	simm.s32 $0x0;
	s30 =	sadd.s32 $0x1000, s28;
	[dreg:$0xb] =	wrdreg s29  }
0x16: {  	s4 =	sadd.s32 s26, s4;
	s1 =	sadd.s32 $0x800, s28;
	[dreg:$0xc] =	wrdreg s30  }
0x17: {  	s0 =	sadd.s32 s0, s4;
	s4 =	simm.s32 $0x6;
	[dreg:$0xd] =	wrdreg s1  }
0x18: {  	[dreg:$0xe] =	wrdreg s0;
	s0 =	simm.s32 $0x4;
	s5 =	simm.s32 $0x7  }
.LBB2_1:
0x19: {  	[dreg:$0xf] =	wrdreg s23  }
0x1a: {  	s1 =	rddreg [dreg:$0x3];
	s23 =	simm.s32 $0x10  }
0x1b: {  	[tilespmem:s2], [sflag:$0x10] =	stream.linear.gather [hbm4b:s1+s2], $0x6400, $0x38;
	[tilespmem:$0x1A400] =	vst v63  }
0x1c: {  	_ =	swait.ge [sflag:s23], $0x6400  }
0x1d: {  	[sflag:s23] =	ssyncset.done $0x0  }
0x1e: {  	s21 =	simm.s32 $0x6400;
	[sflag:s23] =	ssyncadd.s32 $0xFFFF9C00  }
0x1f: {  	[tilespmem:s21], [sflag:$0x1] =	stream.indirect.gather [hbm4b:s3+s17], $0x40, s2, s17, $0xb8;
	[tilespmem:$0x1A400] =	vst v63  }
0x20: {  	_ = 	snop  }
0x21: {  	[tilespmem:s14], [sflag:$0x2] =	stream.indirect.gather [hbm4b:s3+s17], $0x40, s17, s17, $0xb8;
	[tilespmem:$0x1A400] =	vst v63  }
0x22: {  	s24 =	simm.s32 $0x100;
	s25 =	simm.s32 $0xA400  }
0x23: {  	[tilespmem:s25], [sflag:$0x3] =	stream.indirect.gather [hbm4b:s3+s17], $0x40, s24, s17, $0xb8;
	[tilespmem:$0x1A400] =	vst v63  }
0x24: {  	s26 =	simm.s32 $0x180  }
0x25: {  	[tilespmem:s15], [sflag:$0x4] =	stream.indirect.gather [hbm4b:s3+s17], $0x40, s26, s17, $0xb8;
	[tilespmem:$0x1A400] =	vst v63  }
0x26: {  	s29 =	simm.s32 $0x200;
	s20 =	simm.s32 $0xE400  }
0x27: {  	[tilespmem:s20], [sflag:$0x5] =	stream.indirect.gather [hbm4b:s3+s17], $0x40, s29, s17, $0xb8;
	[tilespmem:$0x1A400] =	vst v63  }
0x28: {  	s30 =	simm.s32 $0x280  }
0x29: {  	[tilespmem:s13], [sflag:$0x6] =	stream.indirect.gather [hbm4b:s3+s17], $0x40, s30, s17, $0xb8;
	[tilespmem:$0x1A400] =	vst v63  }
0x2a: {  	s13 =	simm.s32 $0x300;
	s30 =	simm.s32 $0x12400  }
0x2b: {  	[tilespmem:s30], [sflag:$0x7] =	stream.indirect.gather [hbm4b:s3+s17], $0x40, s13, s17, $0xb8;
	[tilespmem:$0x1A400] =	vst v63  }
0x2c: {  	s18 =	simm.s32 $0x380  }
0x2d: {  	[tilespmem:s19], [sflag:$0x8] =	stream.indirect.gather [hbm4b:s3+s17], $0x40, s18, s17, $0xb8;
	[tilespmem:$0x1A400] =	vst v63  }
0x2e: {  	s23 =	simm.s32 $0x400;
	s26 =	simm.s32 $0x16400  }
0x2f: {  	[tilespmem:s26], [sflag:$0x9] =	stream.indirect.gather [hbm4b:s3+s17], $0x40, s23, s17, $0xb8;
	[tilespmem:$0x1A400] =	vst v63  }
0x30: {  	s24 =	simm.s32 $0x480;
	s29 =	simm.s32 $0x18400;
	s18 =	simm.s32 $0x1  }
0x31: {  	[tilespmem:s29], [sflag:$0xA] =	stream.indirect.gather [hbm4b:s3+s17], $0x40, s24, s17, $0xb8;
	[tilespmem:$0x1A400] =	vst v63  }
0x32: {  	_ =	swait.ge [sflag:s18], $0x2000  }
0x33: {  	[sflag:s18] =	ssyncset.done $0x0  }
0x34: {  	s19 =	simm.s32 $0x2;
	[sflag:s18] =	ssyncadd.s32 $0xFFFFE000  }
0x35: {  	_ =	swait.ge [sflag:s19], $0x2000  }
0x36: {  	[sflag:s19] =	ssyncset.done $0x0  }
0x37: {  	s28 =	rddreg [dreg:$0xe];
	[sflag:s19] =	ssyncadd.s32 $0xFFFFE000  }
0x38: {  	[hbm4b:s28+s2] =	stream.linear.scatter [tilespmem:s21], [sflag:$0xB], $0x4000, $0x38;
	[tilespmem:$0x1A400] =	vst v63  }
0x39: {  	_ =	swait.ge [sflag:s31], $0x2000  }
0x3a: {  	[sflag:s31] =	ssyncset.done $0x0  }
0x3b: {  	[sflag:s31] =	ssyncadd.s32 $0xFFFFE000  }
0x3c: {  	_ =	swait.ge [sflag:s0], $0x2000  }
0x3d: {  	[sflag:s0] =	ssyncset.done $0x0  }
0x3e: {  	s13 =	rddreg [dreg:$0xd];
	[sflag:s0] =	ssyncadd.s32 $0xFFFFE000  }
0x3f: {  	[hbm4b:s13+s2] =	stream.linear.scatter [tilespmem:s25], [sflag:$0xC], $0x4000, $0x38;
	[tilespmem:$0x1A400] =	vst v63  }
0x40: {  	_ =	swait.ge [sflag:s22], $0x2000  }
0x41: {  	[sflag:s22] =	ssyncset.done $0x0  }
0x42: {  	[sflag:s22] =	ssyncadd.s32 $0xFFFFE000  }
0x43: {  	_ =	swait.ge [sflag:s4], $0x2000  }
0x44: {  	[sflag:s4] =	ssyncset.done $0x0  }
0x45: {  	s19 =	rddreg [dreg:$0xc];
	[sflag:s4] =	ssyncadd.s32 $0xFFFFE000  }
0x46: {  	[hbm4b:s19+s2] =	stream.linear.scatter [tilespmem:s20], [sflag:$0xD], $0x4000, $0x38;
	[tilespmem:$0x1A400] =	vst v63  }
0x47: {  	_ =	swait.ge [sflag:s5], $0x2000  }
0x48: {  	[sflag:s5] =	ssyncset.done $0x0  }
0x49: {  	[sflag:s5] =	ssyncadd.s32 $0xFFFFE000  }
0x4a: {  	_ =	swait.ge [sflag:s6], $0x2000  }
0x4b: {  	[sflag:s6] =	ssyncset.done $0x0  }
0x4c: {  	s24 =	rddreg [dreg:$0xb];
	[sflag:s6] =	ssyncadd.s32 $0xFFFFE000  }
0x4d: {  	[hbm4b:s24+s2] =	stream.linear.scatter [tilespmem:s30], [sflag:$0xE], $0x4000, $0x38;
	[tilespmem:$0x1A400] =	vst v63  }
0x4e: {  	_ =	swait.ge [sflag:s7], $0x2000  }
0x4f: {  	[sflag:s7] =	ssyncset.done $0x0  }
0x50: {  	[sflag:s7] =	ssyncadd.s32 $0xFFFFE000  }
0x51: {  	_ =	swait.ge [sflag:s8], $0x2000  }
0x52: {  	[sflag:s8] =	ssyncset.done $0x0  }
0x53: {  	s23 =	rddreg [dreg:$0xa];
	[sflag:s8] =	ssyncadd.s32 $0xFFFFE000  }
0x54: {  	[hbm4b:s23+s2] =	stream.linear.scatter [tilespmem:s26], [sflag:$0xF], $0x4000, $0x38;
	[tilespmem:$0x1A400] =	vst v63  }
0x55: {  	_ =	swait.ge [sflag:s9], $0x4000  }
0x56: {  	[sflag:s9] =	ssyncset.done $0x0  }
0x57: {  	s1 =	simm.s32 $0x500;
	[sflag:s9] =	ssyncadd.s32 $0xFFFFC000  }
0x58: {  	[tilespmem:s21], [sflag:$0x1] =	stream.indirect.gather [hbm4b:s3+s17], $0x40, s1, s17, $0xb8;
	[tilespmem:$0x1A400] =	vst v63  }
0x59: {  	s21 =	simm.s32 $0x580  }
0x5a: {  	[tilespmem:s14], [sflag:$0x2] =	stream.indirect.gather [hbm4b:s3+s17], $0x40, s21, s17, $0xb8;
	[tilespmem:$0x1A400] =	vst v63  }
0x5b: {  	_ =	swait.ge [sflag:s10], $0x4000  }
0x5c: {  	[sflag:s10] =	ssyncset.done $0x0  }
0x5d: {  	s21 =	simm.s32 $0x600;
	[sflag:s10] =	ssyncadd.s32 $0xFFFFC000  }
0x5e: {  	[tilespmem:s25], [sflag:$0x3] =	stream.indirect.gather [hbm4b:s3+s17], $0x40, s21, s17, $0xb8;
	[tilespmem:$0x1A400] =	vst v63  }
0x5f: {  	s14 =	simm.s32 $0x680  }
0x60: {  	[tilespmem:s15], [sflag:$0x4] =	stream.indirect.gather [hbm4b:s3+s17], $0x40, s14, s17, $0xb8;
	[tilespmem:$0x1A400] =	vst v63  }
0x61: {  	_ =	swait.ge [sflag:s16], $0x4000  }
0x62: {  	[sflag:s16] =	ssyncset.done $0x0  }
0x63: {  	s15 =	simm.s32 $0x700;
	[sflag:s16] =	ssyncadd.s32 $0xFFFFC000  }
0x64: {  	[tilespmem:s20], [sflag:$0x5] =	stream.indirect.gather [hbm4b:s3+s17], $0x40, s15, s17, $0xb8;
	[tilespmem:$0x1A400] =	vst v63  }
0x65: {  	s18 =	simm.s32 $0x10400;
	s20 =	simm.s32 $0x780  }
0x66: {  	[tilespmem:s18], [sflag:$0x6] =	stream.indirect.gather [hbm4b:s3+s17], $0x40, s20, s17, $0xb8;
	[tilespmem:$0x1A400] =	vst v63  }
0x67: {  	_ =	swait.ge [sflag:s11], $0x4000  }
0x68: {  	[sflag:s11] =	ssyncset.done $0x0  }
0x69: {  	s29 =	simm.s32 $0x14400;
	s21 =	simm.s32 $0x800;
	[sflag:s11] =	ssyncadd.s32 $0xFFFFC000  }
0x6a: {  	[tilespmem:s30], [sflag:$0x7] =	stream.indirect.gather [hbm4b:s3+s17], $0x40, s21, s17, $0xb8;
	[tilespmem:$0x1A400] =	vst v63  }
0x6b: {  	s19 =	sadd.s32 $0x2800, s19;
	s23 =	sadd.s32 $0x2800, s23;
	s25 =	simm.s32 $0x880  }
0x6c: {  	[tilespmem:s29], [sflag:$0x8] =	stream.indirect.gather [hbm4b:s3+s17], $0x40, s25, s17, $0xb8;
	[tilespmem:$0x1A400] =	vst v63  }
0x6d: {  	s1 =	simm.s32 $0x980;
	s14 =	simm.s32 $0x1400;
	_ =	swait.ge [sflag:s12], $0x4000  }
0x6e: {  	s15 =	sadd.s32 $0x2800, s13;
	s13 =	sadd.s32 $0x2800, s28;
	[sflag:s12] =	ssyncset.done $0x0  }
0x6f: {  	s28 =	sadd.s32 $0x2800, s24;
	s30 =	simm.s32 $0x900;
	[sflag:s12] =	ssyncadd.s32 $0xFFFFC000  }
0x70: {  	[tilespmem:s26], [sflag:$0x9] =	stream.indirect.gather [hbm4b:s3+s17], $0x40, s30, s17, $0xb8;
	[tilespmem:$0x1A400] =	vst v63  }
.LBB2_2:
0x71: {  	s24 =	simm.s32 $0x18400  }
0x72: {  	[tilespmem:s24], [sflag:$0xA] =	stream.indirect.gather [hbm4b:s3+s17], $0x40, s1, s17, $0xb8;
	[tilespmem:$0x1A400] =	vst v63  }
0x73: {  	s18 =	simm.s32 $0x1;
	s1 =	smov.u32 s14  }
0x74: {  	p0 =	sne.s32 s14, $0x16800;
	s14 =	sadd.s32 $0x1400, s14;
	_ =	swait.ge [sflag:s18], $0x2000  }
0x75: {  	[sflag:s18] =	ssyncset.done $0x0  }
0x76: {  	[sflag:s18] =	ssyncadd.s32 $0xFFFFE000;
	s18 =	simm.s32 $0x2  }
0x77: {  	_ =	swait.ge [sflag:s18], $0x2000  }
0x78: {  	[sflag:s18] =	ssyncset.done $0x0  }
0x79: {  	[sflag:s18] =	ssyncadd.s32 $0xFFFFE000;
	s18 =	simm.s32 $0x6400  }
0x7a: {  	[hbm4b:s13+s2] =	stream.linear.scatter [tilespmem:s18], [sflag:$0xB], $0x4000, $0x38;
	[tilespmem:$0x1A400] =	vst v63  }
0x7b: {  	_ =	swait.ge [sflag:s31], $0x2000  }
0x7c: {  	[sflag:s31] =	ssyncset.done $0x0  }
0x7d: {  	[sflag:s31] =	ssyncadd.s32 $0xFFFFE000  }
0x7e: {  	_ =	swait.ge [sflag:s0], $0x2000  }
0x7f: {  	[sflag:s0] =	ssyncset.done $0x0  }
0x80: {  	s25 =	simm.s32 $0xA400;
	[sflag:s0] =	ssyncadd.s32 $0xFFFFE000  }
0x81: {  	[hbm4b:s15+s2] =	stream.linear.scatter [tilespmem:s25], [sflag:$0xC], $0x4000, $0x38;
	[tilespmem:$0x1A400] =	vst v63  }
0x82: {  	_ =	swait.ge [sflag:s22], $0x2000  }
0x83: {  	[sflag:s22] =	ssyncset.done $0x0  }
0x84: {  	[sflag:s22] =	ssyncadd.s32 $0xFFFFE000  }
0x85: {  	_ =	swait.ge [sflag:s4], $0x2000  }
0x86: {  	[sflag:s4] =	ssyncset.done $0x0  }
0x87: {  	s20 =	simm.s32 $0xE400;
	[sflag:s4] =	ssyncadd.s32 $0xFFFFE000  }
0x88: {  	[hbm4b:s19+s2] =	stream.linear.scatter [tilespmem:s20], [sflag:$0xD], $0x4000, $0x38;
	[tilespmem:$0x1A400] =	vst v63  }
0x89: {  	_ =	swait.ge [sflag:s5], $0x2000  }
0x8a: {  	[sflag:s5] =	ssyncset.done $0x0  }
0x8b: {  	[sflag:s5] =	ssyncadd.s32 $0xFFFFE000  }
0x8c: {  	_ =	swait.ge [sflag:s6], $0x2000  }
0x8d: {  	[sflag:s6] =	ssyncset.done $0x0  }
0x8e: {  	s26 =	simm.s32 $0x12400;
	[sflag:s6] =	ssyncadd.s32 $0xFFFFE000  }
0x8f: {  	[hbm4b:s28+s2] =	stream.linear.scatter [tilespmem:s26], [sflag:$0xE], $0x4000, $0x38;
	[tilespmem:$0x1A400] =	vst v63  }
0x90: {  	_ =	swait.ge [sflag:s7], $0x2000  }
0x91: {  	[sflag:s7] =	ssyncset.done $0x0  }
0x92: {  	[sflag:s7] =	ssyncadd.s32 $0xFFFFE000  }
0x93: {  	_ =	swait.ge [sflag:s8], $0x2000  }
0x94: {  	[sflag:s8] =	ssyncset.done $0x0  }
0x95: {  	s29 =	simm.s32 $0x16400;
	[sflag:s8] =	ssyncadd.s32 $0xFFFFE000  }
0x96: {  	[hbm4b:s23+s2] =	stream.linear.scatter [tilespmem:s29], [sflag:$0xF], $0x4000, $0x38;
	[tilespmem:$0x1A400] =	vst v63  }
0x97: {  	_ =	swait.ge [sflag:s9], $0x4000  }
0x98: {  	s1 =	sshra.s32 s1, $0x2;
	[sflag:s9] =	ssyncset.done $0x0  }
0x99: {  	s21 =	simm.s32 $0x6400;
	s24 =	sadd.s32 $0x500, s1;
	[sflag:s9] =	ssyncadd.s32 $0xFFFFC000  }
0x9a: {  	[tilespmem:s18], [sflag:$0x1] =	stream.indirect.gather [hbm4b:s3+s17], $0x40, s24, s17, $0xb8;
	[tilespmem:$0x1A400] =	vst v63  }
0x9b: {  	s24 =	sadd.s32 $0x580, s1;
	s18 =	simm.s32 $0x8400  }
0x9c: {  	[tilespmem:s18], [sflag:$0x2] =	stream.indirect.gather [hbm4b:s3+s17], $0x40, s24, s17, $0xb8;
	[tilespmem:$0x1A400] =	vst v63  }
0x9d: {  	_ =	swait.ge [sflag:s10], $0x4000  }
0x9e: {  	[sflag:s10] =	ssyncset.done $0x0  }
0x9f: {  	s30 =	simm.s32 $0xA400;
	s24 =	sadd.s32 $0x600, s1;
	[sflag:s10] =	ssyncadd.s32 $0xFFFFC000  }
0xa0: {  	[tilespmem:s25], [sflag:$0x3] =	stream.indirect.gather [hbm4b:s3+s17], $0x40, s24, s17, $0xb8;
	[tilespmem:$0x1A400] =	vst v63  }
0xa1: {  	s18 =	simm.s32 $0xC400;
	s24 =	sadd.s32 $0x680, s1  }
0xa2: {  	[tilespmem:s18], [sflag:$0x4] =	stream.indirect.gather [hbm4b:s3+s17], $0x40, s24, s17, $0xb8;
	[tilespmem:$0x1A400] =	vst v63  }
0xa3: {  	_ =	swait.ge [sflag:s16], $0x4000  }
0xa4: {  	[sflag:s16] =	ssyncset.done $0x0  }
0xa5: {  	s25 =	simm.s32 $0xE400;
	s24 =	sadd.s32 $0x700, s1;
	[sflag:s16] =	ssyncadd.s32 $0xFFFFC000  }
0xa6: {  	[tilespmem:s20], [sflag:$0x5] =	stream.indirect.gather [hbm4b:s3+s17], $0x40, s24, s17, $0xb8;
	[tilespmem:$0x1A400] =	vst v63  }
0xa7: {  	s18 =	simm.s32 $0x10400;
	s24 =	sadd.s32 $0x780, s1  }
0xa8: {  	[tilespmem:s18], [sflag:$0x6] =	stream.indirect.gather [hbm4b:s3+s17], $0x40, s24, s17, $0xb8;
	[tilespmem:$0x1A400] =	vst v63  }
0xa9: {  	_ =	swait.ge [sflag:s11], $0x4000  }
0xaa: {  	[sflag:s11] =	ssyncset.done $0x0  }
0xab: {  	s24 =	sadd.s32 $0x800, s1;
	s18 =	simm.s32 $0x12400;
	[sflag:s11] =	ssyncadd.s32 $0xFFFFC000  }
0xac: {  	[tilespmem:s26], [sflag:$0x7] =	stream.indirect.gather [hbm4b:s3+s17], $0x40, s24, s17, $0xb8;
	[tilespmem:$0x1A400] =	vst v63  }
0xad: {  	s20 =	simm.s32 $0x14400;
	s24 =	sadd.s32 $0x880, s1  }
0xae: {  	[tilespmem:s20], [sflag:$0x8] =	stream.indirect.gather [hbm4b:s3+s17], $0x40, s24, s17, $0xb8;
	[tilespmem:$0x1A400] =	vst v63  }
.Ltmp0:
0xaf: {  	s13 =	sadd.s32 $0x2800, s13;
	_ =	swait.ge [sflag:s12], $0x4000;
	(pc) =	sbr.rel @p0 .LBB2_2-.Ltmp0, $4  }
0xb0: {  	s15 =	sadd.s32 $0x2800, s15;
	s19 =	sadd.s32 $0x2800, s19;
	[sflag:s12] =	ssyncset.done $0x0  }
0xb1: {  	s24 =	sadd.s32 $0x900, s1;
	s20 =	simm.s32 $0x16400;
	[sflag:s12] =	ssyncadd.s32 $0xFFFFC000  }
0xb2: {  	[tilespmem:s29], [sflag:$0x9] =	stream.indirect.gather [hbm4b:s3+s17], $0x40, s24, s17, $0xb8;
	[tilespmem:$0x1A400] =	vst v63  }
0xb3: {  	s28 =	sadd.s32 $0x2800, s28;
	s23 =	sadd.s32 $0x2800, s23;
	s1 =	sadd.s32 $0x980, s1  }
0xb4: {  	s13 =	simm.s32 $0x18400;
	s15 =	simm.s32 $0x1  }
0xb5: {  	[tilespmem:s13], [sflag:$0xA] =	stream.indirect.gather [hbm4b:s3+s17], $0x40, s1, s17, $0xb8;
	[tilespmem:$0x1A400] =	vst v63  }
0xb6: {  	_ =	swait.ge [sflag:s15], $0x2000  }
0xb7: {  	[sflag:s15] =	ssyncset.done $0x0  }
0xb8: {  	s19 =	simm.s32 $0x2;
	[sflag:s15] =	ssyncadd.s32 $0xFFFFE000  }
0xb9: {  	_ =	swait.ge [sflag:s19], $0x2000  }
0xba: {  	[sflag:s19] =	ssyncset.done $0x0  }
0xbb: {  	s23 =	rddreg [dreg:$0x4];
	[sflag:s19] =	ssyncadd.s32 $0xFFFFE000  }
0xbc: {  	[hbm4b:s23+s2] =	stream.linear.scatter [tilespmem:s21], [sflag:$0xB], $0x4000, $0x38;
	[tilespmem:$0x1A400] =	vst v63  }
0xbd: {  	_ =	swait.ge [sflag:s31], $0x2000  }
0xbe: {  	[sflag:s31] =	ssyncset.done $0x0  }
0xbf: {  	[sflag:s31] =	ssyncadd.s32 $0xFFFFE000  }
0xc0: {  	_ =	swait.ge [sflag:s0], $0x2000  }
0xc1: {  	[sflag:s0] =	ssyncset.done $0x0  }
0xc2: {  	s24 =	rddreg [dreg:$0x5];
	[sflag:s0] =	ssyncadd.s32 $0xFFFFE000  }
0xc3: {  	[hbm4b:s24+s2] =	stream.linear.scatter [tilespmem:s30], [sflag:$0xC], $0x4000, $0x38;
	[tilespmem:$0x1A400] =	vst v63  }
0xc4: {  	_ =	swait.ge [sflag:s22], $0x2000  }
0xc5: {  	[sflag:s22] =	ssyncset.done $0x0  }
0xc6: {  	[sflag:s22] =	ssyncadd.s32 $0xFFFFE000  }
0xc7: {  	_ =	swait.ge [sflag:s4], $0x2000  }
0xc8: {  	[sflag:s4] =	ssyncset.done $0x0  }
0xc9: {  	s26 =	rddreg [dreg:$0x6];
	[sflag:s4] =	ssyncadd.s32 $0xFFFFE000  }
0xca: {  	[hbm4b:s26+s2] =	stream.linear.scatter [tilespmem:s25], [sflag:$0xD], $0x4000, $0x38;
	[tilespmem:$0x1A400] =	vst v63  }
0xcb: {  	_ =	swait.ge [sflag:s5], $0x2000  }
0xcc: {  	[sflag:s5] =	ssyncset.done $0x0  }
0xcd: {  	[sflag:s5] =	ssyncadd.s32 $0xFFFFE000  }
0xce: {  	_ =	swait.ge [sflag:s6], $0x2000  }
0xcf: {  	[sflag:s6] =	ssyncset.done $0x0  }
0xd0: {  	s28 =	rddreg [dreg:$0x7];
	[sflag:s6] =	ssyncadd.s32 $0xFFFFE000  }
0xd1: {  	[hbm4b:s28+s2] =	stream.linear.scatter [tilespmem:s18], [sflag:$0xE], $0x4000, $0x38;
	[tilespmem:$0x1A400] =	vst v63  }
0xd2: {  	_ =	swait.ge [sflag:s7], $0x2000  }
0xd3: {  	[sflag:s7] =	ssyncset.done $0x0  }
0xd4: {  	[sflag:s7] =	ssyncadd.s32 $0xFFFFE000  }
0xd5: {  	_ =	swait.ge [sflag:s8], $0x2000  }
0xd6: {  	[sflag:s8] =	ssyncset.done $0x0  }
0xd7: {  	s29 =	rddreg [dreg:$0x8];
	[sflag:s8] =	ssyncadd.s32 $0xFFFFE000  }
0xd8: {  	[hbm4b:s29+s2] =	stream.linear.scatter [tilespmem:s20], [sflag:$0xF], $0x4000, $0x38;
	[tilespmem:$0x1A400] =	vst v63  }
0xd9: {  	_ =	swait.ge [sflag:s9], $0x4000  }
0xda: {  	[sflag:s9] =	ssyncset.done $0x0  }
0xdb: {  	[sflag:s9] =	ssyncadd.s32 $0xFFFFC000  }
0xdc: {  	_ =	swait.ge [sflag:s10], $0x4000  }
0xdd: {  	[sflag:s10] =	ssyncset.done $0x0  }
0xde: {  	[sflag:s10] =	ssyncadd.s32 $0xFFFFC000  }
0xdf: {  	_ =	swait.ge [sflag:s16], $0x4000  }
0xe0: {  	[sflag:s16] =	ssyncset.done $0x0  }
0xe1: {  	[sflag:s16] =	ssyncadd.s32 $0xFFFFC000  }
0xe2: {  	_ =	swait.ge [sflag:s11], $0x4000  }
0xe3: {  	[sflag:s11] =	ssyncset.done $0x0  }
0xe4: {  	[sflag:s11] =	ssyncadd.s32 $0xFFFFC000  }
0xe5: {  	_ =	swait.ge [sflag:s12], $0x4000  }
0xe6: {  	s23 =	rddreg [dreg:$0xf]  }
0xe7: {  	s30 =	rddreg [dreg:$0x9];
	s23 =	sadd.s32 $0x1, s23  }
0xe8: {  	p0 =	sne.s32 s23, s30  }
.Ltmp1:
0xe9: {  	_ = 	snop;
	(pc) =	sbr.rel @p0 .LBB2_1-.Ltmp1, $3  }
0xea: {  	_ =	sdelay $0x1  }
0xeb: {  	s14 =	simm.s32 $0x8400;
	s13 =	simm.s32 $0x10400;
	[sflag:s12] =	ssyncset.done $0x0  }
0xec: {  	s15 =	simm.s32 $0xC400;
	s19 =	simm.s32 $0x14400;
	[sflag:s12] =	ssyncadd.s32 $0xFFFFC000  }
0xed: {  	_ =	sfence.sel $0x180000  }
0xee: {  	[bflag:$0x0] =	sbarrier.arrive $0xFFFF  }
0xef: {  	_ =	strace $0x90000047  }
0xf0: {  	s0 =	stileid.u32;
	[bflag:$0x2] =	sbarrier.arrive $0xFFFF  }
0xf1: {  	p0 =	sne.s32 s0, $0x0;
	s0 =	rddreg [dreg:$0x2]  }
0xf2: {  	s0 =	sadd.s32 @!p0 $0x100000, s0  }
0xf3: {  	[sflag:s0] =	ssyncadd.tile.s32 @!p0 $0x1;
	_ =	shalt  }
.Lfunc_end2:
_tile_overlayer_lowered:
.L_overlay_start_2:
0xf4: {  	(tag) =	ssettag $0x2  }
0xf5: {  	s0 =	rddreg [dreg:$0x0];
	s2 =	stileid.u32  }
0xf6: {  	s1 =	rddreg [dreg:$0x1];
	p0 =	sne.s32 s2, $0x0  }
0xf7: {  	s3 =	rddreg [dreg:$0x2];
	[bflag:$0x3] =	sbarrier.arrive $0xFFFF;
	s2 =	simm.s32 @!p0 $0x1C10  }
0xf8: {  	[timem:s3], [sflag:s2] =	dma.local @!p0 [hbm:s0], s1  }
0xf9: {  	s0 =	simm.s32 @!p0 $0x10  }
0xfa: {  	_ =	swait.ge @!p0 [sflag:s0], s1  }
0xfb: {  	s1 =	ssub.s32 @!p0 $0x0, s1;
	[sflag:s0] =	ssyncset.done @!p0 $0x0  }
0xfc: {  	[sflag:s0] =	ssyncadd.s32 @!p0 s1  }
0xfd: {  	[bflag:$0x3] =	sbarrier.arrive $0xFFFF  }
0xfe: {  	_ =	shalt  }

// kernel: sparse-core-data-format-call.cloned.1.call-start
scs
called_computation_lowered:
.L_overlay_start_0:
0x0: {  	s2 =	sld [smem:$0x3FD9]  }
0x1: {  	s3 =	sld [smem:$0x3FFE];
	_ =	sdelay $0x1  }
0x2: {  	s1 =	srdreg.scid  }
0x3: {  	s0 =	sand.u32 $0x1, s1  }
0x4: {  	s18 =	sshll.u32 s0, $0xA;
	s2 =	sadd.s32 s3, s2  }
0x5: {  	s2 =	sadd.s32 s2, s18  }
0x6: {  	[smem:$0x3FC6] =	sst s2  }
0x7: {  	_ = 	snop  }
0x8: {  	s2 =	sld [smem:$0x3FD0];
	(tm) =	ssettm $0x1  }
0x9: {  	s19 =	sld [smem:$0x3FFB];
	_ =	sdelay $0x3  }
0xa: {  	_ =	strace s19  }
0xb: {  	s3 =	sld [smem:$0x3FFC];
	_ =	sdelay $0x3  }
0xc: {  	_ =	strace s3  }
0xd: {  	s3 =	sld [smem:$0x3FFD];
	_ =	sdelay $0x3  }
0xe: {  	_ =	strace s3  }
0xf: {  	_ =	strace $0x8FFFFFFF  }
0x10: {  	s20 =	sld [smem:$0x3FDB];
	_ =	sdelay $0x1  }
0x11: {  	s4 =	simm.s32 $_scs_section_size  }
0x12: {  	s5 =	simm.s32 $_size__tile_overlayer_lowered;
	s6 =	simm.s32 $_tile_overlayer_lowered  }
0x13: {  	s23 =	simm.s32 $0x1BFF;
	s22 =	sshll.u32 s6, $0x1;
	s3 =	sadd.s32 s4, s20  }
0x14: {  	s7 =	simm.s32 $0x0;
	s21 =	sshll.u32 s5, $0x1;
	s5 =	sadd.s32 s22, s3  }
0x15: {  	[timem:s7], [sflag:s23] =	dma.local [hbm:s5], s21  }
0x16: {  	_ =	swait.ge [sflag:s23], s21  }
0x17: {  	s4 =	ssub.s32 $0x0, s21;
	[sflag:s23] =	ssyncset.done $0x0  }
0x18: {  	[sflag:s23] =	ssyncadd.s32 s4;
	_ =	sdelay $0x1  }
0x19: {  	s24 =	simm.s32 $0x1B8B  }
0x1a: {  	_ =	swait.ge [sflag:s24], $0x1  }
0x1b: {  	[sflag:s24] =	ssyncset.done $0x0  }
0x1c: {  	s26 =	simm.s32 $0x1B8E;
	s25 =	sld [smem:$0x3FFE];
	[sflag:s24] =	ssyncadd.s32 $0xFFFFFFFF  }
0x1d: {  	s27 =	simm.s32 $execute0_lowered;
	[smem:$0x3FD2] =	sst s26  }
0x1e: {  	s5 =	sshll.u32 s27, $0x1;
	_ =	strace $0x80000049;
	[dreg:$0x1] =	wrdreg $0xFFFFFFFF  }
0x1f: {  	s28 =	simm.s32 $_size_execute0_lowered;
	s3 =	sadd.s32 s3, s5;
	[dreg:$0x0] =	wrdreg $0x0  }
0x20: {  	s5 =	sshll.u32 s28, $0x1;
	[dreg:$0x2] =	wrdreg s3  }
0x21: {  	[dreg:$0x3] =	wrdreg s5  }
0x22: {  	[dreg:$0x4] =	wrdreg $0xC0  }
0x23: {  	_ =	task [dreg:s7], $0x5FFFF  }
0x24: {  	[dreg:$0x1] =	wrdreg $0xFFFFFFFF  }
0x25: {  	[dreg:$0x0] =	wrdreg $0x60  }
0x26: {  	[dreg:$0x2] =	wrdreg s25  }
0x27: {  	[dreg:$0x3] =	wrdreg s2  }
0x28: {  	[dreg:$0x4] =	wrdreg $0x9  }
0x29: {  	_ =	task.clear_ibuf [dreg:s7], $0x5FFFF;
	_ =	strace $0x90000049  }
0x2a: {  	s29 =	simm.s32 $0x9;
	_ =	strace $0x8000004B  }
0x2b: {  	_ =	swait.ge [sflag:s29], $0x1  }
0x2c: {  	[sflag:s29] =	ssyncadd.s32 $0xFFFFFFFF  }
0x2d: {  	_ =	strace $0x9000004B  }
0x2e: {  	_ =	sfence  }
0x2f: {  	s30 =	sld [smem:$0x0];
	_ =	sdelay $0x2  }
0x30: {  	s31 =	sshll.u32 s1, $0xD;
	s1 =	sshrl.u32 s1, $0x2  }
0x31: {  	s3 =	sand.u32 $0x4000, s31;
	s1 =	sadd.s32 s1, s30  }
0x32: {  	s0 =	sor.u32 s3, s0;
	s1 =	sshll.u32 s1, $0x11  }
0x33: {  	s0 =	sor.u32 s1, s0  }
0x34: {  	s0 =	sadd.s32 $0x8F2B, s0  }
0x35: {  	[sflag:s0] =	ssyncadd.remote.s32 $0x1  }
0x36: {  	_ =	sfence.sel $0xFFFF  }
0x37: {  	[dreg:$0x0] =	wrdreg $0xFFFFFFFF;
	(pc) =	sbr.abs _section_cstart, $3  }
0x38: {  	[dreg:$0x1] =	wrdreg $0xFFFFFFFF  }
0x39: {  	_ =	task.clear_ibuf [dreg:s7], $0x2FFFF;
	_ =	strace $0x9FFFFFFF  }
0x3a: {  	(tm) =	ssettm $0x7FFFFFFF  }
0x3b: {  	_ =	shalt  }
tec
execute0_lowered:
.L_overlay_start_1:
0x0: {  	(tag) =	ssettag $0x1  }
0x1: {  	s0 =	srdreg.scid  }
0x2: {  	s1 =	sshll.u32 s0, $0x4  }
0x3: {  	s0 =	stileid.u32;
	s1 =	sand.u32 $0x10, s1  }
0x4: {  	s1 =	sor.u32 s0, s1  }
0x5: {  	s6 =	rddreg [dreg:$0x0];
	s4 =	simm.s32 $0x1;
	s2 =	sshll.u32 s1, $0x7  }
0x6: {  	s7 =	simm.s32 $0x2;
	s12 =	simm.s32 $0x0;
	s1 =	ssub.s32 $0x1000, s2  }
0x7: {  	s8 =	simm.s32 $0x8000;
	s13 =	simm.s32 $0x0;
	s3 =	sand.u32 $0xF80, s1  }
0x8: {  	s9 =	simm.s32 $0x0;
	s5 =	sshrl.u32 s1, $0xC;
	p0 =	sne.s32 s3, $0x0  }
.Ltmp0:
0x9: {  	s1 =	rddreg [dreg:$0x2];
	s4 =	simm.s32 @!p0 $0x0;
	(pc) =	sbr.rel .LBB1_1-.Ltmp0, $4  }
0xa: {  	s11 =	simm.s32 $0x0;
	s3 =	rddreg [dreg:$0x1];
	s5 =	sadd.s32 s4, s5  }
0xb: {  	_ =	strace $0x8000004A;
	s4 =	simm.s32 $0x1;
	s5 =	smul.u32 $0xC8, s5  }
0xc: {  	s6 =	sadd.s32 $0x800, s6;
	s10 =	smov.u32 s2;
	[sflag:s4] =	ssyncpa.u1 $0x0  }
0xd: {  	p0 =	por $0x0, $0x0;
	[sflag:s7] =	ssyncpa.u1 $0x0;
	s7 =	sor.u32 $0x1, s5  }
.LBB1_4:
0xe: {  	s16 =	sshll.u32 s13, $0x3;
	s17 =	sand.u32 $0x78, s13  }
0xf: {  	s30 =	sand.u32 $0x7E00, s13;
	s12 =	sshll.u32 s12, $0xF;
	s16 =	sand.u32 $0xC00, s16  }
0x10: {  	[tilespmem:s15+$0x810 ss:$0x81] =	vst.msk $0xffff, v2;
	s31 =	sand.u32 $0x7, s13;
	s16 =	sor.u32 s17, s16;
	s17 =	sadd.s32 s3, s30  }
0x11: {  	[tilespmem:s15+$0x1020 ss:$0x81] =	vst.msk $0xffff, v0;
	s13 =	sshll.u32 s31, $0x12;
	s12 =	sadd.s32 s12, s17;
	s16 =	sshrl.u32 s16, $0x3  }
0x12: {  	[tilespmem:s15+$0x0 ss:$0x81] =	vst.msk $0xffff, v1;
	s13 =	sor.u32 $0x400, s13;
	s12 =	sadd.s32 s16, s12  }
0x13: {  	[hbm4b:s12+s13] =	stream.strided.scatter [tilespmem:s14], [sflag:$0x2], $0x2000, s8, s13, $0x20;
	[tilespmem:$0x8080] =	vst v63  }
.LBB1_5:
0x14: {  	s14 =	sadd.s32 $0x1, s9  }
0x15: {  	s12 =	sadd.s32 $0x1000, s10;
	s16 =	smov.u32 s10;
	p2 =	sgt.s32 s14, $0xC7  }
0x16: {  	s16 =	smov.u32 @p2 s12  }
0x17: {  	s14 =	simm.s32 @p2 $0x0;
	p2 =	sgt.s32 s16, $0xFFF  }
0x18: {  	s16 =	smov.u32 @p2 s2;
	p2 =	sne.s32 s11, s7  }
.Ltmp1:
0x19: {  	p1 =	slt.u32 s11, $0x2;
	(pc) =	sbr.rel @!p2 .LBB1_6-.Ltmp1, $4  }
0x1a: {  	s15 =	simm.s32 @!p1 $0x2  }
0x1b: {  	s13 =	smov.u32 s10;
	p0 =	por !p0, !p0;
	_ =	swait.ge @!p1 [sflag:s15], $0x2000  }
0x1c: {  	s12 =	smov.u32 s9;
	[sflag:s15] =	ssyncset.done @!p1 $0x0;
	s9 =	smov.u32 s14  }
0x1d: {  	s11 =	sadd.s32 $0x1, s11;
	[sflag:s15] =	ssyncadd.s32 @!p1 $0xFFFFE000;
	s10 =	smov.u32 s16  }
.LBB1_1:
0x1e: {  	p1 =	sge.u32 s11, s5  }
0x1f: {  	s14 =	sand.u32 @!p1 $0x1FFFFFF, s9  }
0x20: {  	s15 =	smulhi.u32 @!p1 $0x147AE15, s14;
	_ =	sdelay $0x1  }
0x21: {  	s15 =	smul.u32 @!p1 $0xC8, s15  }
0x22: {  	s16 =	sxor.u32 @!p1 $0xFFFFFFFF, s11;
	s17 =	smul.u32 @!p1 $0xC80, s10  }
0x23: {  	s31 =	sadd.s32 $0xFFFFFFFF, s11;
	s16 =	sshll.u32 @!p1 s16, $0xD;
	s14 =	ssub.s32 @!p1 s14, s15  }
0x24: {  	s15 =	sand.u32 @!p1 $0x2000, s16;
	s16 =	sadd.s32 @!p1 s6, s17;
	s14 =	sshll.u32 @!p1 s14, $0x4  }
0x25: {  	s17 =	simm.s32 @!p1 $0x6400;
	s14 =	sadd.s32 @!p1 s14, s16;
	s16 =	simm.s32 @!p1 $0x40  }
0x26: {  	[tilespmem:s15], [sflag:$0x1] =	stream.strided.gather @!p1 [hbm4b:s14+s16], $0x2000, s17, s16, $0x38;
	[tilespmem:$0x8080] =	vst v63  }
0x27: {  	p1 =	sge.u32 s31, s5  }
.Ltmp2:
0x28: {  	_ = 	snop;
	(pc) =	sbr.rel @p1 .LBB1_5-.Ltmp2, $1  }
0x29: {  	_ =	sdelay $0x3  }
0x2a: {  	s14 =	simm.s32 $0x1  }
0x2b: {  	_ =	swait.ge [sflag:s4], $0x2000;
	s14 =	simm.s32 @!p0 $0x0  }
0x2c: {  	[sflag:s4] =	ssyncset.done $0x0;
	s15 =	sshll.u32 s14, $0xD  }
0x2d: {  	[sflag:s4] =	ssyncadd.s32 $0xFFFFE000;
	s18 =	sor.u32 $0x20, s15  }
0x2e: {  	s14 =	smul.u32 $0x8100, s14;
	v3 =	vld [tilespmem:s18+$0x10]  }
0x2f: {  	s30 =	sand.u32 $0x1, s11;
	v2 =	vld [tilespmem:s18+$0xFFFFFFF0]  }
0x30: {  	s15 =	smul.u32 $0x8100, s30;
	s14 =	sshrl.u32 s14, $0x2;
	v0 =	vld [tilespmem:s18+$0x0]  }
0x31: {  	v1 =	vld [tilespmem:s18+$0xFFFFFFE0];
	s16 =	sor.u32 $0x4000, s14  }
0x32: {  	s31 =	sshrl.u32 s15, $0x2;
	s15 =	sadd.s32 $0x0, s16  }
0x33: {  	s17 =	simm.s32 $0x4;
	s18 =	sadd.s32 $0x40, s18;
	s14 =	sor.u32 $0x4000, s31;
	[tilespmem:s15+$0x1830 ss:$0x81] =	vst.msk $0xffff, v3  }
.LBB1_3:
0x34: {  	v3 =	vld [tilespmem:s18+$0x10];
	p1 =	sne.s32 s17, $0x1FC;
	[tilespmem:s15+$0x810 ss:$0x81] =	vst.msk $0xffff, v2;
	s19 =	smov.u32 s17;
	s17 =	sadd.s32 $0x4, s17  }
.Ltmp3:
0x35: {  	v2 =	vld [tilespmem:s18+$0xFFFFFFF0];
	[tilespmem:s15+$0x1020 ss:$0x81] =	vst.msk $0xffff, v0;
	(pc) =	sbr.rel @p1 .LBB1_3-.Ltmp3, $4  }
0x36: {  	v0 =	vld [tilespmem:s18+$0x0];
	[tilespmem:s15+$0x0 ss:$0x81] =	vst.msk $0xffff, v1  }
0x37: {  	s15 =	sshra.s32 s19, $0x2;
	v1 =	vld [tilespmem:s18+$0xFFFFFFE0]  }
0x38: {  	s15 =	sadd.s32 s15, s16  }
0x39: {  	s18 =	sadd.s32 $0x40, s18;
	[tilespmem:s15+$0x1830 ss:$0x81] =	vst.msk $0xffff, v3  }
.Ltmp4:
0x3a: {  	_ = 	snop;
	(pc) =	sbr.rel .LBB1_4-.Ltmp4, $1  }
0x3b: {  	_ =	sdelay $0x3  }
.LBB1_6:
0x3c: {  	_ =	sfence.sel $0x180000  }
0x3d: {  	s2 =	simm.s32 $0x1;
	[bflag:$0x0] =	sbarrier.arrive $0xFFFF  }
0x3e: {  	s31 =	simm.s32 $0x2;
	[sflag:s2] =	ssyncpa.u1 $0x1  }
0x3f: {  	[sflag:s31] =	ssyncpa.u1 $0x1  }
0x40: {  	p0 =	sne.s32 s0, $0x0;
	_ =	strace $0x9000004A  }
0x41: {  	s0 =	sadd.s32 @!p0 $0x100000, s1;
	[bflag:$0x2] =	sbarrier.arrive $0xFFFF  }
0x42: {  	[sflag:s0] =	ssyncadd.tile.s32 @!p0 $0x1;
	_ =	shalt  }
.Lfunc_end1:
_tile_overlayer_lowered:
.L_overlay_start_2:
0x43: {  	(tag) =	ssettag $0x2  }
0x44: {  	s0 =	rddreg [dreg:$0x0];
	s2 =	stileid.u32  }
0x45: {  	s1 =	rddreg [dreg:$0x1];
	p0 =	sne.s32 s2, $0x0  }
0x46: {  	s3 =	rddreg [dreg:$0x2];
	[bflag:$0x3] =	sbarrier.arrive $0xFFFF;
	s2 =	simm.s32 @!p0 $0x1C01  }
0x47: {  	[timem:s3], [sflag:s2] =	dma.local @!p0 [hbm:s0], s1  }
0x48: {  	s0 =	simm.s32 @!p0 $0x1  }
0x49: {  	_ =	swait.ge @!p0 [sflag:s0], s1  }
0x4a: {  	s1 =	ssub.s32 @!p0 $0x0, s1;
	[sflag:s0] =	ssyncset.done @!p0 $0x0  }
0x4b: {  	[sflag:s0] =	ssyncadd.s32 @!p0 s1  }
0x4c: {  	[bflag:$0x3] =	sbarrier.arrive $0xFFFF  }
0x4d: {  	_ =	shalt  }

</sc_bundles>
